<compile_context>
chip_gen: v7x
topology: tpu7x:2x2x1
jax: 0.10.2.dev20260603
libtpu: 0.0.44.dev20260713+nightly
codegen_flags: <defaults>
</compile_context>

<pallas_src>
import functools

import jax
import jax.numpy as jnp
from jax import lax
from jax.experimental import pallas as pl
from jax.experimental.pallas import tpu as pltpu
from jax.experimental.pallas import tpu_sc as plsc

IN_CH = 4096
N_ROWS = 8192
L = 16
NC, NS = 2, 16
NW = NC * NS
ROWS_PER_W = N_ROWS // NW
C = 8
CHUNKS = ROWS_PER_W // C
NPAIR = CHUNKS // 2
NQ = 2
HW = IN_CH // NQ
HGROUPS = HW // L

_mesh = plsc.VectorSubcoreMesh(
    core_axis_name="c", subcore_axis_name="s", num_cores=NC, num_subcores=NS)


@functools.partial(
    pl.kernel,
    out_type=jax.ShapeDtypeStruct((N_ROWS, IN_CH), jnp.float32),
    mesh=_mesh,
    compiler_params=pltpu.CompilerParams(needs_layout_passes=False),
    scratch_types=[
        pltpu.VMEM((IN_CH,), jnp.int32),
        pltpu.VMEM((C, IN_CH), jnp.float32),
        pltpu.VMEM((C, IN_CH), jnp.float32),
        pltpu.VMEM((C, HW), jnp.float32),
        pltpu.VMEM((C, HW), jnp.float32),
        pltpu.SemaphoreType.DMA,
        pltpu.SemaphoreType.DMA,
        pltpu.SemaphoreType.DMA,
        pltpu.SemaphoreType.DMA,
        pltpu.SemaphoreType.DMA,
        pltpu.SemaphoreType.DMA,
    ],
)
def _permute(x_hbm, p_hbm, out_hbm, p_v, in0, in1, oh0, oh1,
             sem_in0, sem_in1, sem_in0b, sem_in1b, sem_out0, sem_out1):
    wid = lax.axis_index("s") * NC + lax.axis_index("c")
    row0 = wid * ROWS_PER_W
    pltpu.sync_copy(p_hbm, p_v)

    ohs = (oh0, oh1)
    sem_outs = (sem_out0, sem_out1)

    def in_copies(ci, buf, sem, semb):
        r0 = pl.multiple_of(row0 + ci * C, C)
        return (
            pltpu.make_async_copy(
                x_hbm.at[pl.ds(r0, C), pl.ds(0, HW)],
                buf.at[:, pl.ds(0, HW)], sem),
            pltpu.make_async_copy(
                x_hbm.at[pl.ds(r0, C), pl.ds(HW, HW)],
                buf.at[:, pl.ds(HW, HW)], semb),
        )

    def out_copy(ci, h, buf, sem):
        r0 = pl.multiple_of(row0 + ci * C, C)
        return pltpu.make_async_copy(
            buf, out_hbm.at[pl.ds(r0, C), pl.ds(h * HW, HW)], sem)

    def permute_half(src, dst, h):
        @plsc.parallel_loop(0, HGROUPS, unroll=4)
        def _(g):
            col = pl.multiple_of(h * HW + g * L, L)
            idx = p_v[pl.ds(col, L)]
            for r in range(C):
                rvec = jnp.full((L,), r, jnp.int32)
                val = plsc.load_gather(src, [rvec, idx])
                dst[r, pl.ds(g * L, L)] = val

    def do_chunk(ci, ibuf, isem, isemb):
        for cp in in_copies(ci, ibuf, isem, isemb):
            cp.wait()
        if ibuf is in0:
            nbuf, nsem, nsemb = in1, sem_in1, sem_in1b
        else:
            nbuf, nsem, nsemb = in0, sem_in0, sem_in0b

        @pl.when(ci + 1 < CHUNKS)
        def _():
            for cp in in_copies(ci + 1, nbuf, nsem, nsemb):
                cp.start()

        for h in range(NQ):
            @pl.when(ci > 0)
            def _():
                out_copy(ci - 1, h, ohs[h], sem_outs[h]).wait()

            permute_half(ibuf, ohs[h], h)
            out_copy(ci, h, ohs[h], sem_outs[h]).start()

    for cp in in_copies(0, in0, sem_in0, sem_in0b):
        cp.start()

    def pair_body(i, carry):
        do_chunk(i * 2, in0, sem_in0, sem_in0b)
        do_chunk(i * 2 + 1, in1, sem_in1, sem_in1b)
        return carry

    lax.fori_loop(0, NPAIR, pair_body, 0)

    for h in range(NQ):
        out_copy(CHUNKS - 1, h, ohs[h], sem_outs[h]).wait()


def kernel(x, p):
    out = _permute(x, p.astype(jnp.int32))
    return (out, 0)

# --- scband reference (transcript-rebuilt; emitter-appended) ---
"""Pipeline reference for scband-permutation-33354716020768 (READ-ONLY COPY).

The authoritative reference and input builder live on the scoring server;
editing this copy changes nothing except your own understanding.
"""

import jax, jax.numpy as jnp
import numpy as np

IN_CH = 4096
N_ROWS = 8192


def setup_inputs(seed: int = 0) -> dict:
    key = jax.random.key(seed)
    k1, k2 = jax.random.split(key)
    x = jax.random.normal(k1, (N_ROWS, IN_CH), dtype=jnp.float32)
    # buffer p = torch.randperm(in_ch)
    p = jax.random.permutation(k2, IN_CH).astype(jnp.int64)
    return {"x": x, "p": p}


def reference(x, p):
    # forward: out = x[:, self.p]; return (out, 0)
    out = jnp.take(x, p, axis=1)
    return (out, 0)

if __name__ == "__main__":
    import jax
    _d = setup_inputs()
    print(jax.jit(kernel)(*tuple(_d.values())))

</pallas_src>

<mosaic_0001>
#map = affine_map<(d0, d1) -> (0, 0)>
#map1 = affine_map<(d0, d1) -> (0)>
module attributes {stable_mosaic.version = 14 : i64} {
  func.func @_permute(%arg0: i32, %arg1: i32, %arg2: memref<8192x4096xf32, #tpu.memory_space<hbm>>, %arg3: memref<4096xi32, #tpu.memory_space<hbm>>, %arg4: memref<8192x4096xf32, #tpu.memory_space<hbm>>, %arg5: memref<4096xi32, #tpu.memory_space<vmem>>, %arg6: memref<8x4096xf32, #tpu.memory_space<vmem>>, %arg7: memref<8x4096xf32, #tpu.memory_space<vmem>>, %arg8: memref<8x2048xf32, #tpu.memory_space<vmem>>, %arg9: memref<8x2048xf32, #tpu.memory_space<vmem>>, %arg10: memref<!tpu.dma_semaphore, #tpu.memory_space<semaphore_mem>>, %arg11: memref<!tpu.dma_semaphore, #tpu.memory_space<semaphore_mem>>, %arg12: memref<!tpu.dma_semaphore, #tpu.memory_space<semaphore_mem>>, %arg13: memref<!tpu.dma_semaphore, #tpu.memory_space<semaphore_mem>>, %arg14: memref<!tpu.dma_semaphore, #tpu.memory_space<semaphore_mem>>, %arg15: memref<!tpu.dma_semaphore, #tpu.memory_space<semaphore_mem>>) attributes {dimension_semantics = [#tpu.dimension_semantics<core_parallel>, #tpu.dimension_semantics<subcore_parallel>], iteration_bounds = array<i64: 2, 16>, scalar_prefetch = 0 : i64, scratch_operands = 11 : i64, tpu.core_type = #tpu.core_type<sc_vector_subcore>, window_params = [{transform_indices = #map}, {transform_indices = #map1}, {transform_indices = #map}]} {
    %mul3A = arith.constant 2 : i32
    %mul3A_0 = arith.muli %arg1, %mul3A : i32
    %add3A = arith.addi %mul3A_0, %arg0 : i32
    %mul3A_1 = arith.constant 256 : i32
    %mul3A_2 = arith.muli %add3A, %mul3A_1 : i32
    "tpu.region"() ({
      %run_scoped3A = tpu.sem_alloc : memref<!tpu.dma_semaphore, #tpu.memory_space<semaphore_mem>>
      tpu.enqueue_dma source(%arg3 : memref<4096xi32, #tpu.memory_space<hbm>>) target(%arg5 : memref<4096xi32, #tpu.memory_space<vmem>>) target_semaphore(%run_scoped3A : memref<!tpu.dma_semaphore, #tpu.memory_space<semaphore_mem>>)
      tpu.wait_dma2 semaphore(%run_scoped3A : memref<!tpu.dma_semaphore, #tpu.memory_space<semaphore_mem>>) src(%arg3 : memref<4096xi32, #tpu.memory_space<hbm>>) dst(%arg5 : memref<4096xi32, #tpu.memory_space<vmem>>)
      tpu.yield
    }) : () -> ()
    %add3A_3 = arith.constant 0 : i32
    %add3A_4 = arith.addi %mul3A_2, %add3A_3 : i32
    %multiple_of3A = tpu.assume_multiple %add3A_4, 8 : i32
    %dma_start3A = arith.constant 0 : i32
    %dma_start3A_5 = arith.constant 0 : i32
    %dma_start3A_6 = tpu.memref_slice %arg6[%dma_start3A, %dma_start3A_5] : memref<8x4096xf32, #tpu.memory_space<vmem>> -> memref<8x2048xf32, #tpu.memory_space<vmem>>
    %dma_start3A_7 = arith.constant 0 : i32
    %dma_start3A_8 = tpu.memref_slice %arg2[%multiple_of3A, %dma_start3A_7] : memref<8192x4096xf32, #tpu.memory_space<hbm>> -> memref<8x2048xf32, #tpu.memory_space<hbm>>
    %dma_start3A_9 = arith.constant 0 : i32
    %dma_start3A_10 = arith.constant 0 : i32
    %dma_start3A_11 = tpu.memref_slice %arg6[%dma_start3A_9, %dma_start3A_10] : memref<8x4096xf32, #tpu.memory_space<vmem>> -> memref<8x2048xf32, #tpu.memory_space<vmem>>
    %dma_start3A_12 = arith.constant 0 : i32
    %dma_start3A_13 = tpu.memref_slice %arg2[%multiple_of3A, %dma_start3A_12] : memref<8192x4096xf32, #tpu.memory_space<hbm>> -> memref<8x2048xf32, #tpu.memory_space<hbm>>
    tpu.enqueue_dma source(%dma_start3A_13 : memref<8x2048xf32, #tpu.memory_space<hbm>>) target(%dma_start3A_11 : memref<8x2048xf32, #tpu.memory_space<vmem>>) target_semaphore(%arg10 : memref<!tpu.dma_semaphore, #tpu.memory_space<semaphore_mem>>)
    %dma_start3A_14 = arith.constant 0 : i32
    %dma_start3A_15 = arith.constant 2048 : i32
    %dma_start3A_16 = tpu.memref_slice %arg6[%dma_start3A_14, %dma_start3A_15] : memref<8x4096xf32, #tpu.memory_space<vmem>> -> memref<8x2048xf32, #tpu.memory_space<vmem>>
    %dma_start3A_17 = arith.constant 2048 : i32
    %dma_start3A_18 = tpu.memref_slice %arg2[%multiple_of3A, %dma_start3A_17] : memref<8192x4096xf32, #tpu.memory_space<hbm>> -> memref<8x2048xf32, #tpu.memory_space<hbm>>
    %dma_start3A_19 = arith.constant 0 : i32
    %dma_start3A_20 = arith.constant 2048 : i32
    %dma_start3A_21 = tpu.memref_slice %arg6[%dma_start3A_19, %dma_start3A_20] : memref<8x4096xf32, #tpu.memory_space<vmem>> -> memref<8x2048xf32, #tpu.memory_space<vmem>>
    %dma_start3A_22 = arith.constant 2048 : i32
    %dma_start3A_23 = tpu.memref_slice %arg2[%multiple_of3A, %dma_start3A_22] : memref<8192x4096xf32, #tpu.memory_space<hbm>> -> memref<8x2048xf32, #tpu.memory_space<hbm>>
    tpu.enqueue_dma source(%dma_start3A_23 : memref<8x2048xf32, #tpu.memory_space<hbm>>) target(%dma_start3A_21 : memref<8x2048xf32, #tpu.memory_space<vmem>>) target_semaphore(%arg12 : memref<!tpu.dma_semaphore, #tpu.memory_space<semaphore_mem>>)
    %scan3A = arith.constant 0 : i32
    %scan3A_24 = arith.constant 0 : i32
    %scan3A_25 = arith.constant 16 : i32
    %scan3A_26 = arith.addi %scan3A_24, %scan3A_25 : i32
    %scan3A_27 = arith.constant 1 : i32
    scf.for %scan3A_42 = %scan3A_24 to %scan3A_26 step %scan3A_27  : i32 {
      %mul3A_43 = arith.constant 2 : i32
      %mul3A_44 = arith.muli %scan3A_42, %mul3A_43 : i32
      %mul3A_45 = arith.constant 8 : i32
      %mul3A_46 = arith.muli %mul3A_44, %mul3A_45 : i32
      %add3A_47 = arith.addi %mul3A_2, %mul3A_46 : i32
      %multiple_of3A_48 = tpu.assume_multiple %add3A_47, 8 : i32
      %dma_wait3A_49 = arith.constant 0 : i32
      %dma_wait3A_50 = arith.constant 0 : i32
      %dma_wait3A_51 = tpu.memref_slice %arg6[%dma_wait3A_49, %dma_wait3A_50] : memref<8x4096xf32, #tpu.memory_space<vmem>> -> memref<8x2048xf32, #tpu.memory_space<vmem>>
      %dma_wait3A_52 = arith.constant 0 : i32
      %dma_wait3A_53 = tpu.memref_slice %arg2[%multiple_of3A_48, %dma_wait3A_52] : memref<8192x4096xf32, #tpu.memory_space<hbm>> -> memref<8x2048xf32, #tpu.memory_space<hbm>>
      %dma_wait3A_54 = arith.constant 0 : i32
      %dma_wait3A_55 = arith.constant 0 : i32
      %dma_wait3A_56 = tpu.memref_slice %arg6[%dma_wait3A_54, %dma_wait3A_55] : memref<8x4096xf32, #tpu.memory_space<vmem>> -> memref<8x2048xf32, #tpu.memory_space<vmem>>
      %dma_wait3A_57 = arith.constant 0 : i32
      %dma_wait3A_58 = tpu.memref_slice %arg2[%multiple_of3A_48, %dma_wait3A_57] : memref<8192x4096xf32, #tpu.memory_space<hbm>> -> memref<8x2048xf32, #tpu.memory_space<hbm>>
      tpu.wait_dma2 semaphore(%arg10 : memref<!tpu.dma_semaphore, #tpu.memory_space<semaphore_mem>>) src(%dma_wait3A_58 : memref<8x2048xf32, #tpu.memory_space<hbm>>) dst(%dma_wait3A_56 : memref<8x2048xf32, #tpu.memory_space<vmem>>)
      %dma_wait3A_59 = arith.constant 0 : i32
      %dma_wait3A_60 = arith.constant 2048 : i32
      %dma_wait3A_61 = tpu.memref_slice %arg6[%dma_wait3A_59, %dma_wait3A_60] : memref<8x4096xf32, #tpu.memory_space<vmem>> -> memref<8x2048xf32, #tpu.memory_space<vmem>>
      %dma_wait3A_62 = arith.constant 2048 : i32
      %dma_wait3A_63 = tpu.memref_slice %arg2[%multiple_of3A_48, %dma_wait3A_62] : memref<8192x4096xf32, #tpu.memory_space<hbm>> -> memref<8x2048xf32, #tpu.memory_space<hbm>>
      %dma_wait3A_64 = arith.constant 0 : i32
      %dma_wait3A_65 = arith.constant 2048 : i32
      %dma_wait3A_66 = tpu.memref_slice %arg6[%dma_wait3A_64, %dma_wait3A_65] : memref<8x4096xf32, #tpu.memory_space<vmem>> -> memref<8x2048xf32, #tpu.memory_space<vmem>>
      %dma_wait3A_67 = arith.constant 2048 : i32
      %dma_wait3A_68 = tpu.memref_slice %arg2[%multiple_of3A_48, %dma_wait3A_67] : memref<8192x4096xf32, #tpu.memory_space<hbm>> -> memref<8x2048xf32, #tpu.memory_space<hbm>>
      tpu.wait_dma2 semaphore(%arg12 : memref<!tpu.dma_semaphore, #tpu.memory_space<semaphore_mem>>) src(%dma_wait3A_68 : memref<8x2048xf32, #tpu.memory_space<hbm>>) dst(%dma_wait3A_66 : memref<8x2048xf32, #tpu.memory_space<vmem>>)
      %add3A_69 = arith.constant 1 : i32
      %add3A_70 = arith.addi %mul3A_44, %add3A_69 : i32
      %lt3A = arith.constant 32 : i32
      %lt3A_71 = arith.cmpi slt, %add3A_70, %lt3A : i32
      %convert_element_type3A = arith.extui %lt3A_71 : i1 to i32
      %cond3A = arith.constant 0 : i32
      %cond3A_72 = arith.cmpi ne, %convert_element_type3A, %cond3A : i32
      scf.if %cond3A_72 {
        %add3A_170 = arith.constant 1 : i32
        %add3A_171 = arith.addi %mul3A_44, %add3A_170 : i32
        %mul3A_172 = arith.constant 8 : i32
        %mul3A_173 = arith.muli %add3A_171, %mul3A_172 : i32
        %add3A_174 = arith.addi %mul3A_2, %mul3A_173 : i32
        %multiple_of3A_175 = tpu.assume_multiple %add3A_174, 8 : i32
        %dma_start3A_176 = arith.constant 0 : i32
        %dma_start3A_177 = arith.constant 0 : i32
        %dma_start3A_178 = tpu.memref_slice %arg7[%dma_start3A_176, %dma_start3A_177] : memref<8x4096xf32, #tpu.memory_space<vmem>> -> memref<8x2048xf32, #tpu.memory_space<vmem>>
        %dma_start3A_179 = arith.constant 0 : i32
        %dma_start3A_180 = tpu.memref_slice %arg2[%multiple_of3A_175, %dma_start3A_179] : memref<8192x4096xf32, #tpu.memory_space<hbm>> -> memref<8x2048xf32, #tpu.memory_space<hbm>>
        %dma_start3A_181 = arith.constant 0 : i32
        %dma_start3A_182 = arith.constant 0 : i32
        %dma_start3A_183 = tpu.memref_slice %arg7[%dma_start3A_181, %dma_start3A_182] : memref<8x4096xf32, #tpu.memory_space<vmem>> -> memref<8x2048xf32, #tpu.memory_space<vmem>>
        %dma_start3A_184 = arith.constant 0 : i32
        %dma_start3A_185 = tpu.memref_slice %arg2[%multiple_of3A_175, %dma_start3A_184] : memref<8192x4096xf32, #tpu.memory_space<hbm>> -> memref<8x2048xf32, #tpu.memory_space<hbm>>
        tpu.enqueue_dma source(%dma_start3A_185 : memref<8x2048xf32, #tpu.memory_space<hbm>>) target(%dma_start3A_183 : memref<8x2048xf32, #tpu.memory_space<vmem>>) target_semaphore(%arg11 : memref<!tpu.dma_semaphore, #tpu.memory_space<semaphore_mem>>)
        %dma_start3A_186 = arith.constant 0 : i32
        %dma_start3A_187 = arith.constant 2048 : i32
        %dma_start3A_188 = tpu.memref_slice %arg7[%dma_start3A_186, %dma_start3A_187] : memref<8x4096xf32, #tpu.memory_space<vmem>> -> memref<8x2048xf32, #tpu.memory_space<vmem>>
        %dma_start3A_189 = arith.constant 2048 : i32
        %dma_start3A_190 = tpu.memref_slice %arg2[%multiple_of3A_175, %dma_start3A_189] : memref<8192x4096xf32, #tpu.memory_space<hbm>> -> memref<8x2048xf32, #tpu.memory_space<hbm>>
        %dma_start3A_191 = arith.constant 0 : i32
        %dma_start3A_192 = arith.constant 2048 : i32
        %dma_start3A_193 = tpu.memref_slice %arg7[%dma_start3A_191, %dma_start3A_192] : memref<8x4096xf32, #tpu.memory_space<vmem>> -> memref<8x2048xf32, #tpu.memory_space<vmem>>
        %dma_start3A_194 = arith.constant 2048 : i32
        %dma_start3A_195 = tpu.memref_slice %arg2[%multiple_of3A_175, %dma_start3A_194] : memref<8192x4096xf32, #tpu.memory_space<hbm>> -> memref<8x2048xf32, #tpu.memory_space<hbm>>
        tpu.enqueue_dma source(%dma_start3A_195 : memref<8x2048xf32, #tpu.memory_space<hbm>>) target(%dma_start3A_193 : memref<8x2048xf32, #tpu.memory_space<vmem>>) target_semaphore(%arg13 : memref<!tpu.dma_semaphore, #tpu.memory_space<semaphore_mem>>)
      } else {
      }
      %gt3A = arith.constant 0 : i32
      %gt3A_73 = arith.cmpi sgt, %mul3A_44, %gt3A : i32
      %convert_element_type3A_74 = arith.extui %gt3A_73 : i1 to i32
      %cond3A_75 = arith.constant 0 : i32
      %cond3A_76 = arith.cmpi ne, %convert_element_type3A_74, %cond3A_75 : i32
      scf.if %cond3A_76 {
        %sub3A = arith.constant 1 : i32
        %sub3A_170 = arith.subi %mul3A_44, %sub3A : i32
        %mul3A_171 = arith.constant 8 : i32
        %mul3A_172 = arith.muli %sub3A_170, %mul3A_171 : i32
        %add3A_173 = arith.addi %mul3A_2, %mul3A_172 : i32
        %multiple_of3A_174 = tpu.assume_multiple %add3A_173, 8 : i32
        %dma_wait3A_175 = arith.constant 0 : i32
        %dma_wait3A_176 = tpu.memref_slice %arg4[%multiple_of3A_174, %dma_wait3A_175] : memref<8192x4096xf32, #tpu.memory_space<hbm>> -> memref<8x2048xf32, #tpu.memory_space<hbm>>
        %dma_wait3A_177 = arith.constant 0 : i32
        %dma_wait3A_178 = tpu.memref_slice %arg4[%multiple_of3A_174, %dma_wait3A_177] : memref<8192x4096xf32, #tpu.memory_space<hbm>> -> memref<8x2048xf32, #tpu.memory_space<hbm>>
        tpu.wait_dma2 semaphore(%arg14 : memref<!tpu.dma_semaphore, #tpu.memory_space<semaphore_mem>>) src(%arg8 : memref<8x2048xf32, #tpu.memory_space<vmem>>) dst(%dma_wait3A_178 : memref<8x2048xf32, #tpu.memory_space<hbm>>)
      } else {
      }
      %parallel_loop3A = arith.constant 0 : i32
      %parallel_loop3A_77 = arith.constant 128 : i32
      %parallel_loop3A_78 = arith.constant 1 : i32
      scf.for %parallel_loop3A_170 = %parallel_loop3A to %parallel_loop3A_77 step %parallel_loop3A_78  : i32 {
        %parallel_loop3A_171 = arith.constant 16 : i32
        %parallel_loop3A_172 = arith.muli %parallel_loop3A_170, %parallel_loop3A_171 : i32
        %parallel_loop3A_173 = arith.constant 0 : i32
        %parallel_loop3A_174 = arith.addi %parallel_loop3A_173, %parallel_loop3A_172 : i32
        %parallel_loop3A_175 = tpu.assume_multiple %parallel_loop3A_174, 16 : i32
        %parallel_loop3A_176 = arith.index_cast %parallel_loop3A_175 : i32 to index
        %parallel_loop3A_177 = tpu.vector_load %arg5[%parallel_loop3A_176] {strides = array<i32>} : memref<4096xi32, #tpu.memory_space<vmem>>, vector<16xi32>,
        %parallel_loop3A_178 = arith.constant 0 : i32
        %parallel_loop3A_179 = vector.broadcast %parallel_loop3A_178 : i32 to vector<16xi32>
        %parallel_loop3A_180 = tpu.vector_load_idx %arg6[%parallel_loop3A_179, %parallel_loop3A_177] : memref<8x4096xf32, #tpu.memory_space<vmem>>[vector<16xi32>, vector<16xi32>], vector<16xf32>,
        %parallel_loop3A_181 = arith.constant 16 : i32
        %parallel_loop3A_182 = arith.muli %parallel_loop3A_170, %parallel_loop3A_181 : i32
        %parallel_loop3A_183 = arith.constant 0 : i32
        %parallel_loop3A_184 = arith.index_cast %parallel_loop3A_183 : i32 to index
        %parallel_loop3A_185 = arith.index_cast %parallel_loop3A_182 : i32 to index
        %parallel_loop3A_186 = tpu.vector_load %arg8[%parallel_loop3A_184, %parallel_loop3A_185] {strides = array<i32>} : memref<8x2048xf32, #tpu.memory_space<vmem>>, vector<16xf32>,
        tpu.vector_store %arg8[%parallel_loop3A_184, %parallel_loop3A_185], %parallel_loop3A_180 {strides = array<i32>} : memref<8x2048xf32, #tpu.memory_space<vmem>>, vector<16xf32>,
        %parallel_loop3A_187 = arith.constant 1 : i32
        %parallel_loop3A_188 = vector.broadcast %parallel_loop3A_187 : i32 to vector<16xi32>
        %parallel_loop3A_189 = tpu.vector_load_idx %arg6[%parallel_loop3A_188, %parallel_loop3A_177] : memref<8x4096xf32, #tpu.memory_space<vmem>>[vector<16xi32>, vector<16xi32>], vector<16xf32>,
        %parallel_loop3A_190 = arith.constant 16 : i32
        %parallel_loop3A_191 = arith.muli %parallel_loop3A_170, %parallel_loop3A_190 : i32
        %parallel_loop3A_192 = arith.constant 1 : i32
        %parallel_loop3A_193 = arith.index_cast %parallel_loop3A_192 : i32 to index
        %parallel_loop3A_194 = arith.index_cast %parallel_loop3A_191 : i32 to index
        %parallel_loop3A_195 = tpu.vector_load %arg8[%parallel_loop3A_193, %parallel_loop3A_194] {strides = array<i32>} : memref<8x2048xf32, #tpu.memory_space<vmem>>, vector<16xf32>,
        tpu.vector_store %arg8[%parallel_loop3A_193, %parallel_loop3A_194], %parallel_loop3A_189 {strides = array<i32>} : memref<8x2048xf32, #tpu.memory_space<vmem>>, vector<16xf32>,
        %parallel_loop3A_196 = arith.constant 2 : i32
        %parallel_loop3A_197 = vector.broadcast %parallel_loop3A_196 : i32 to vector<16xi32>
        %parallel_loop3A_198 = tpu.vector_load_idx %arg6[%parallel_loop3A_197, %parallel_loop3A_177] : memref<8x4096xf32, #tpu.memory_space<vmem>>[vector<16xi32>, vector<16xi32>], vector<16xf32>,
        %parallel_loop3A_199 = arith.constant 16 : i32
        %parallel_loop3A_200 = arith.muli %parallel_loop3A_170, %parallel_loop3A_199 : i32
        %parallel_loop3A_201 = arith.constant 2 : i32
        %parallel_loop3A_202 = arith.index_cast %parallel_loop3A_201 : i32 to index
        %parallel_loop3A_203 = arith.index_cast %parallel_loop3A_200 : i32 to index
        %parallel_loop3A_204 = tpu.vector_load %arg8[%parallel_loop3A_202, %parallel_loop3A_203] {strides = array<i32>} : memref<8x2048xf32, #tpu.memory_space<vmem>>, vector<16xf32>,
        tpu.vector_store %arg8[%parallel_loop3A_202, %parallel_loop3A_203], %parallel_loop3A_198 {strides = array<i32>} : memref<8x2048xf32, #tpu.memory_space<vmem>>, vector<16xf32>,
        %parallel_loop3A_205 = arith.constant 3 : i32
        %parallel_loop3A_206 = vector.broadcast %parallel_loop3A_205 : i32 to vector<16xi32>
        %parallel_loop3A_207 = tpu.vector_load_idx %arg6[%parallel_loop3A_206, %parallel_loop3A_177] : memref<8x4096xf32, #tpu.memory_space<vmem>>[vector<16xi32>, vector<16xi32>], vector<16xf32>,
        %parallel_loop3A_208 = arith.constant 16 : i32
        %parallel_loop3A_209 = arith.muli %parallel_loop3A_170, %parallel_loop3A_208 : i32
        %parallel_loop3A_210 = arith.constant 3 : i32
        %parallel_loop3A_211 = arith.index_cast %parallel_loop3A_210 : i32 to index
        %parallel_loop3A_212 = arith.index_cast %parallel_loop3A_209 : i32 to index
        %parallel_loop3A_213 = tpu.vector_load %arg8[%parallel_loop3A_211, %parallel_loop3A_212] {strides = array<i32>} : memref<8x2048xf32, #tpu.memory_space<vmem>>, vector<16xf32>,
        tpu.vector_store %arg8[%parallel_loop3A_211, %parallel_loop3A_212], %parallel_loop3A_207 {strides = array<i32>} : memref<8x2048xf32, #tpu.memory_space<vmem>>, vector<16xf32>,
        %parallel_loop3A_214 = arith.constant 4 : i32
        %parallel_loop3A_215 = vector.broadcast %parallel_loop3A_214 : i32 to vector<16xi32>
        %parallel_loop3A_216 = tpu.vector_load_idx %arg6[%parallel_loop3A_215, %parallel_loop3A_177] : memref<8x4096xf32, #tpu.memory_space<vmem>>[vector<16xi32>, vector<16xi32>], vector<16xf32>,
        %parallel_loop3A_217 = arith.constant 16 : i32
        %parallel_loop3A_218 = arith.muli %parallel_loop3A_170, %parallel_loop3A_217 : i32
        %parallel_loop3A_219 = arith.constant 4 : i32
        %parallel_loop3A_220 = arith.index_cast %parallel_loop3A_219 : i32 to index
        %parallel_loop3A_221 = arith.index_cast %parallel_loop3A_218 : i32 to index
        %parallel_loop3A_222 = tpu.vector_load %arg8[%parallel_loop3A_220, %parallel_loop3A_221] {strides = array<i32>} : memref<8x2048xf32, #tpu.memory_space<vmem>>, vector<16xf32>,
        tpu.vector_store %arg8[%parallel_loop3A_220, %parallel_loop3A_221], %parallel_loop3A_216 {strides = array<i32>} : memref<8x2048xf32, #tpu.memory_space<vmem>>, vector<16xf32>,
        %parallel_loop3A_223 = arith.constant 5 : i32
        %parallel_loop3A_224 = vector.broadcast %parallel_loop3A_223 : i32 to vector<16xi32>
        %parallel_loop3A_225 = tpu.vector_load_idx %arg6[%parallel_loop3A_224, %parallel_loop3A_177] : memref<8x4096xf32, #tpu.memory_space<vmem>>[vector<16xi32>, vector<16xi32>], vector<16xf32>,
        %parallel_loop3A_226 = arith.constant 16 : i32
        %parallel_loop3A_227 = arith.muli %parallel_loop3A_170, %parallel_loop3A_226 : i32
        %parallel_loop3A_228 = arith.constant 5 : i32
        %parallel_loop3A_229 = arith.index_cast %parallel_loop3A_228 : i32 to index
        %parallel_loop3A_230 = arith.index_cast %parallel_loop3A_227 : i32 to index
        %parallel_loop3A_231 = tpu.vector_load %arg8[%parallel_loop3A_229, %parallel_loop3A_230] {strides = array<i32>} : memref<8x2048xf32, #tpu.memory_space<vmem>>, vector<16xf32>,
        tpu.vector_store %arg8[%parallel_loop3A_229, %parallel_loop3A_230], %parallel_loop3A_225 {strides = array<i32>} : memref<8x2048xf32, #tpu.memory_space<vmem>>, vector<16xf32>,
        %parallel_loop3A_232 = arith.constant 6 : i32
        %parallel_loop3A_233 = vector.broadcast %parallel_loop3A_232 : i32 to vector<16xi32>
        %parallel_loop3A_234 = tpu.vector_load_idx %arg6[%parallel_loop3A_233, %parallel_loop3A_177] : memref<8x4096xf32, #tpu.memory_space<vmem>>[vector<16xi32>, vector<16xi32>], vector<16xf32>,
        %parallel_loop3A_235 = arith.constant 16 : i32
        %parallel_loop3A_236 = arith.muli %parallel_loop3A_170, %parallel_loop3A_235 : i32
        %parallel_loop3A_237 = arith.constant 6 : i32
        %parallel_loop3A_238 = arith.index_cast %parallel_loop3A_237 : i32 to index
        %parallel_loop3A_239 = arith.index_cast %parallel_loop3A_236 : i32 to index
        %parallel_loop3A_240 = tpu.vector_load %arg8[%parallel_loop3A_238, %parallel_loop3A_239] {strides = array<i32>} : memref<8x2048xf32, #tpu.memory_space<vmem>>, vector<16xf32>,
        tpu.vector_store %arg8[%parallel_loop3A_238, %parallel_loop3A_239], %parallel_loop3A_234 {strides = array<i32>} : memref<8x2048xf32, #tpu.memory_space<vmem>>, vector<16xf32>,
        %parallel_loop3A_241 = arith.constant 7 : i32
        %parallel_loop3A_242 = vector.broadcast %parallel_loop3A_241 : i32 to vector<16xi32>
        %parallel_loop3A_243 = tpu.vector_load_idx %arg6[%parallel_loop3A_242, %parallel_loop3A_177] : memref<8x4096xf32, #tpu.memory_space<vmem>>[vector<16xi32>, vector<16xi32>], vector<16xf32>,
        %parallel_loop3A_244 = arith.constant 16 : i32
        %parallel_loop3A_245 = arith.muli %parallel_loop3A_170, %parallel_loop3A_244 : i32
        %parallel_loop3A_246 = arith.constant 7 : i32
        %parallel_loop3A_247 = arith.index_cast %parallel_loop3A_246 : i32 to index
        %parallel_loop3A_248 = arith.index_cast %parallel_loop3A_245 : i32 to index
        %parallel_loop3A_249 = tpu.vector_load %arg8[%parallel_loop3A_247, %parallel_loop3A_248] {strides = array<i32>} : memref<8x2048xf32, #tpu.memory_space<vmem>>, vector<16xf32>,
        tpu.vector_store %arg8[%parallel_loop3A_247, %parallel_loop3A_248], %parallel_loop3A_243 {strides = array<i32>} : memref<8x2048xf32, #tpu.memory_space<vmem>>, vector<16xf32>,
      } {sc.loop_unroll_factor = 4 : i64, sc.parallel_access}
      %mul3A_79 = arith.constant 8 : i32
      %mul3A_80 = arith.muli %mul3A_44, %mul3A_79 : i32
      %add3A_81 = arith.addi %mul3A_2, %mul3A_80 : i32
      %multiple_of3A_82 = tpu.assume_multiple %add3A_81, 8 : i32
      %dma_start3A_83 = arith.constant 0 : i32
      %dma_start3A_84 = tpu.memref_slice %arg4[%multiple_of3A_82, %dma_start3A_83] : memref<8192x4096xf32, #tpu.memory_space<hbm>> -> memref<8x2048xf32, #tpu.memory_space<hbm>>
      %dma_start3A_85 = arith.constant 0 : i32
      %dma_start3A_86 = tpu.memref_slice %arg4[%multiple_of3A_82, %dma_start3A_85] : memref<8192x4096xf32, #tpu.memory_space<hbm>> -> memref<8x2048xf32, #tpu.memory_space<hbm>>
      tpu.enqueue_dma source(%arg8 : memref<8x2048xf32, #tpu.memory_space<vmem>>) target(%dma_start3A_86 : memref<8x2048xf32, #tpu.memory_space<hbm>>) target_semaphore(%arg14 : memref<!tpu.dma_semaphore, #tpu.memory_space<semaphore_mem>>)
      %gt3A_87 = arith.constant 0 : i32
      %gt3A_88 = arith.cmpi sgt, %mul3A_44, %gt3A_87 : i32
      %convert_element_type3A_89 = arith.extui %gt3A_88 : i1 to i32
      %cond3A_90 = arith.constant 0 : i32
      %cond3A_91 = arith.cmpi ne, %convert_element_type3A_89, %cond3A_90 : i32
      scf.if %cond3A_91 {
        %sub3A = arith.constant 1 : i32
        %sub3A_170 = arith.subi %mul3A_44, %sub3A : i32
        %mul3A_171 = arith.constant 8 : i32
        %mul3A_172 = arith.muli %sub3A_170, %mul3A_171 : i32
        %add3A_173 = arith.addi %mul3A_2, %mul3A_172 : i32
        %multiple_of3A_174 = tpu.assume_multiple %add3A_173, 8 : i32
        %dma_wait3A_175 = arith.constant 2048 : i32
        %dma_wait3A_176 = tpu.memref_slice %arg4[%multiple_of3A_174, %dma_wait3A_175] : memref<8192x4096xf32, #tpu.memory_space<hbm>> -> memref<8x2048xf32, #tpu.memory_space<hbm>>
        %dma_wait3A_177 = arith.constant 2048 : i32
        %dma_wait3A_178 = tpu.memref_slice %arg4[%multiple_of3A_174, %dma_wait3A_177] : memref<8192x4096xf32, #tpu.memory_space<hbm>> -> memref<8x2048xf32, #tpu.memory_space<hbm>>
        tpu.wait_dma2 semaphore(%arg15 : memref<!tpu.dma_semaphore, #tpu.memory_space<semaphore_mem>>) src(%arg9 : memref<8x2048xf32, #tpu.memory_space<vmem>>) dst(%dma_wait3A_178 : memref<8x2048xf32, #tpu.memory_space<hbm>>)
      } else {
      }
      %parallel_loop3A_92 = arith.constant 0 : i32
      %parallel_loop3A_93 = arith.constant 128 : i32
      %parallel_loop3A_94 = arith.constant 1 : i32
      scf.for %parallel_loop3A_170 = %parallel_loop3A_92 to %parallel_loop3A_93 step %parallel_loop3A_94  : i32 {
        %parallel_loop3A_171 = arith.constant 16 : i32
        %parallel_loop3A_172 = arith.muli %parallel_loop3A_170, %parallel_loop3A_171 : i32
        %parallel_loop3A_173 = arith.constant 2048 : i32
        %parallel_loop3A_174 = arith.addi %parallel_loop3A_173, %parallel_loop3A_172 : i32
        %parallel_loop3A_175 = tpu.assume_multiple %parallel_loop3A_174, 16 : i32
        %parallel_loop3A_176 = arith.index_cast %parallel_loop3A_175 : i32 to index
        %parallel_loop3A_177 = tpu.vector_load %arg5[%parallel_loop3A_176] {strides = array<i32>} : memref<4096xi32, #tpu.memory_space<vmem>>, vector<16xi32>,
        %parallel_loop3A_178 = arith.constant 0 : i32
        %parallel_loop3A_179 = vector.broadcast %parallel_loop3A_178 : i32 to vector<16xi32>
        %parallel_loop3A_180 = tpu.vector_load_idx %arg6[%parallel_loop3A_179, %parallel_loop3A_177] : memref<8x4096xf32, #tpu.memory_space<vmem>>[vector<16xi32>, vector<16xi32>], vector<16xf32>,
        %parallel_loop3A_181 = arith.constant 16 : i32
        %parallel_loop3A_182 = arith.muli %parallel_loop3A_170, %parallel_loop3A_181 : i32
        %parallel_loop3A_183 = arith.constant 0 : i32
        %parallel_loop3A_184 = arith.index_cast %parallel_loop3A_183 : i32 to index
        %parallel_loop3A_185 = arith.index_cast %parallel_loop3A_182 : i32 to index
        %parallel_loop3A_186 = tpu.vector_load %arg9[%parallel_loop3A_184, %parallel_loop3A_185] {strides = array<i32>} : memref<8x2048xf32, #tpu.memory_space<vmem>>, vector<16xf32>,
        tpu.vector_store %arg9[%parallel_loop3A_184, %parallel_loop3A_185], %parallel_loop3A_180 {strides = array<i32>} : memref<8x2048xf32, #tpu.memory_space<vmem>>, vector<16xf32>,
        %parallel_loop3A_187 = arith.constant 1 : i32
        %parallel_loop3A_188 = vector.broadcast %parallel_loop3A_187 : i32 to vector<16xi32>
        %parallel_loop3A_189 = tpu.vector_load_idx %arg6[%parallel_loop3A_188, %parallel_loop3A_177] : memref<8x4096xf32, #tpu.memory_space<vmem>>[vector<16xi32>, vector<16xi32>], vector<16xf32>,
        %parallel_loop3A_190 = arith.constant 16 : i32
        %parallel_loop3A_191 = arith.muli %parallel_loop3A_170, %parallel_loop3A_190 : i32
        %parallel_loop3A_192 = arith.constant 1 : i32
        %parallel_loop3A_193 = arith.index_cast %parallel_loop3A_192 : i32 to index
        %parallel_loop3A_194 = arith.index_cast %parallel_loop3A_191 : i32 to index
        %parallel_loop3A_195 = tpu.vector_load %arg9[%parallel_loop3A_193, %parallel_loop3A_194] {strides = array<i32>} : memref<8x2048xf32, #tpu.memory_space<vmem>>, vector<16xf32>,
        tpu.vector_store %arg9[%parallel_loop3A_193, %parallel_loop3A_194], %parallel_loop3A_189 {strides = array<i32>} : memref<8x2048xf32, #tpu.memory_space<vmem>>, vector<16xf32>,
        %parallel_loop3A_196 = arith.constant 2 : i32
        %parallel_loop3A_197 = vector.broadcast %parallel_loop3A_196 : i32 to vector<16xi32>
        %parallel_loop3A_198 = tpu.vector_load_idx %arg6[%parallel_loop3A_197, %parallel_loop3A_177] : memref<8x4096xf32, #tpu.memory_space<vmem>>[vector<16xi32>, vector<16xi32>], vector<16xf32>,
        %parallel_loop3A_199 = arith.constant 16 : i32
        %parallel_loop3A_200 = arith.muli %parallel_loop3A_170, %parallel_loop3A_199 : i32
        %parallel_loop3A_201 = arith.constant 2 : i32
        %parallel_loop3A_202 = arith.index_cast %parallel_loop3A_201 : i32 to index
        %parallel_loop3A_203 = arith.index_cast %parallel_loop3A_200 : i32 to index
        %parallel_loop3A_204 = tpu.vector_load %arg9[%parallel_loop3A_202, %parallel_loop3A_203] {strides = array<i32>} : memref<8x2048xf32, #tpu.memory_space<vmem>>, vector<16xf32>,
        tpu.vector_store %arg9[%parallel_loop3A_202, %parallel_loop3A_203], %parallel_loop3A_198 {strides = array<i32>} : memref<8x2048xf32, #tpu.memory_space<vmem>>, vector<16xf32>,
        %parallel_loop3A_205 = arith.constant 3 : i32
        %parallel_loop3A_206 = vector.broadcast %parallel_loop3A_205 : i32 to vector<16xi32>
        %parallel_loop3A_207 = tpu.vector_load_idx %arg6[%parallel_loop3A_206, %parallel_loop3A_177] : memref<8x4096xf32, #tpu.memory_space<vmem>>[vector<16xi32>, vector<16xi32>], vector<16xf32>,
        %parallel_loop3A_208 = arith.constant 16 : i32
        %parallel_loop3A_209 = arith.muli %parallel_loop3A_170, %parallel_loop3A_208 : i32
        %parallel_loop3A_210 = arith.constant 3 : i32
        %parallel_loop3A_211 = arith.index_cast %parallel_loop3A_210 : i32 to index
        %parallel_loop3A_212 = arith.index_cast %parallel_loop3A_209 : i32 to index
        %parallel_loop3A_213 = tpu.vector_load %arg9[%parallel_loop3A_211, %parallel_loop3A_212] {strides = array<i32>} : memref<8x2048xf32, #tpu.memory_space<vmem>>, vector<16xf32>,
        tpu.vector_store %arg9[%parallel_loop3A_211, %parallel_loop3A_212], %parallel_loop3A_207 {strides = array<i32>} : memref<8x2048xf32, #tpu.memory_space<vmem>>, vector<16xf32>,
        %parallel_loop3A_214 = arith.constant 4 : i32
        %parallel_loop3A_215 = vector.broadcast %parallel_loop3A_214 : i32 to vector<16xi32>
        %parallel_loop3A_216 = tpu.vector_load_idx %arg6[%parallel_loop3A_215, %parallel_loop3A_177] : memref<8x4096xf32, #tpu.memory_space<vmem>>[vector<16xi32>, vector<16xi32>], vector<16xf32>,
        %parallel_loop3A_217 = arith.constant 16 : i32
        %parallel_loop3A_218 = arith.muli %parallel_loop3A_170, %parallel_loop3A_217 : i32
        %parallel_loop3A_219 = arith.constant 4 : i32
        %parallel_loop3A_220 = arith.index_cast %parallel_loop3A_219 : i32 to index
        %parallel_loop3A_221 = arith.index_cast %parallel_loop3A_218 : i32 to index
        %parallel_loop3A_222 = tpu.vector_load %arg9[%parallel_loop3A_220, %parallel_loop3A_221] {strides = array<i32>} : memref<8x2048xf32, #tpu.memory_space<vmem>>, vector<16xf32>,
        tpu.vector_store %arg9[%parallel_loop3A_220, %parallel_loop3A_221], %parallel_loop3A_216 {strides = array<i32>} : memref<8x2048xf32, #tpu.memory_space<vmem>>, vector<16xf32>,
        %parallel_loop3A_223 = arith.constant 5 : i32
        %parallel_loop3A_224 = vector.broadcast %parallel_loop3A_223 : i32 to vector<16xi32>
        %parallel_loop3A_225 = tpu.vector_load_idx %arg6[%parallel_loop3A_224, %parallel_loop3A_177] : memref<8x4096xf32, #tpu.memory_space<vmem>>[vector<16xi32>, vector<16xi32>], vector<16xf32>,
        %parallel_loop3A_226 = arith.constant 16 : i32
        %parallel_loop3A_227 = arith.muli %parallel_loop3A_170, %parallel_loop3A_226 : i32
        %parallel_loop3A_228 = arith.constant 5 : i32
        %parallel_loop3A_229 = arith.index_cast %parallel_loop3A_228 : i32 to index
        %parallel_loop3A_230 = arith.index_cast %parallel_loop3A_227 : i32 to index
        %parallel_loop3A_231 = tpu.vector_load %arg9[%parallel_loop3A_229, %parallel_loop3A_230] {strides = array<i32>} : memref<8x2048xf32, #tpu.memory_space<vmem>>, vector<16xf32>,
        tpu.vector_store %arg9[%parallel_loop3A_229, %parallel_loop3A_230], %parallel_loop3A_225 {strides = array<i32>} : memref<8x2048xf32, #tpu.memory_space<vmem>>, vector<16xf32>,
        %parallel_loop3A_232 = arith.constant 6 : i32
        %parallel_loop3A_233 = vector.broadcast %parallel_loop3A_232 : i32 to vector<16xi32>
        %parallel_loop3A_234 = tpu.vector_load_idx %arg6[%parallel_loop3A_233, %parallel_loop3A_177] : memref<8x4096xf32, #tpu.memory_space<vmem>>[vector<16xi32>, vector<16xi32>], vector<16xf32>,
        %parallel_loop3A_235 = arith.constant 16 : i32
        %parallel_loop3A_236 = arith.muli %parallel_loop3A_170, %parallel_loop3A_235 : i32
        %parallel_loop3A_237 = arith.constant 6 : i32
        %parallel_loop3A_238 = arith.index_cast %parallel_loop3A_237 : i32 to index
        %parallel_loop3A_239 = arith.index_cast %parallel_loop3A_236 : i32 to index
        %parallel_loop3A_240 = tpu.vector_load %arg9[%parallel_loop3A_238, %parallel_loop3A_239] {strides = array<i32>} : memref<8x2048xf32, #tpu.memory_space<vmem>>, vector<16xf32>,
        tpu.vector_store %arg9[%parallel_loop3A_238, %parallel_loop3A_239], %parallel_loop3A_234 {strides = array<i32>} : memref<8x2048xf32, #tpu.memory_space<vmem>>, vector<16xf32>,
        %parallel_loop3A_241 = arith.constant 7 : i32
        %parallel_loop3A_242 = vector.broadcast %parallel_loop3A_241 : i32 to vector<16xi32>
        %parallel_loop3A_243 = tpu.vector_load_idx %arg6[%parallel_loop3A_242, %parallel_loop3A_177] : memref<8x4096xf32, #tpu.memory_space<vmem>>[vector<16xi32>, vector<16xi32>], vector<16xf32>,
        %parallel_loop3A_244 = arith.constant 16 : i32
        %parallel_loop3A_245 = arith.muli %parallel_loop3A_170, %parallel_loop3A_244 : i32
        %parallel_loop3A_246 = arith.constant 7 : i32
        %parallel_loop3A_247 = arith.index_cast %parallel_loop3A_246 : i32 to index
        %parallel_loop3A_248 = arith.index_cast %parallel_loop3A_245 : i32 to index
        %parallel_loop3A_249 = tpu.vector_load %arg9[%parallel_loop3A_247, %parallel_loop3A_248] {strides = array<i32>} : memref<8x2048xf32, #tpu.memory_space<vmem>>, vector<16xf32>,
        tpu.vector_store %arg9[%parallel_loop3A_247, %parallel_loop3A_248], %parallel_loop3A_243 {strides = array<i32>} : memref<8x2048xf32, #tpu.memory_space<vmem>>, vector<16xf32>,
      } {sc.loop_unroll_factor = 4 : i64, sc.parallel_access}
      %mul3A_95 = arith.constant 8 : i32
      %mul3A_96 = arith.muli %mul3A_44, %mul3A_95 : i32
      %add3A_97 = arith.addi %mul3A_2, %mul3A_96 : i32
      %multiple_of3A_98 = tpu.assume_multiple %add3A_97, 8 : i32
      %dma_start3A_99 = arith.constant 2048 : i32
      %dma_start3A_100 = tpu.memref_slice %arg4[%multiple_of3A_98, %dma_start3A_99] : memref<8192x4096xf32, #tpu.memory_space<hbm>> -> memref<8x2048xf32, #tpu.memory_space<hbm>>
      %dma_start3A_101 = arith.constant 2048 : i32
      %dma_start3A_102 = tpu.memref_slice %arg4[%multiple_of3A_98, %dma_start3A_101] : memref<8192x4096xf32, #tpu.memory_space<hbm>> -> memref<8x2048xf32, #tpu.memory_space<hbm>>
      tpu.enqueue_dma source(%arg9 : memref<8x2048xf32, #tpu.memory_space<vmem>>) target(%dma_start3A_102 : memref<8x2048xf32, #tpu.memory_space<hbm>>) target_semaphore(%arg15 : memref<!tpu.dma_semaphore, #tpu.memory_space<semaphore_mem>>)
      %mul3A_103 = arith.constant 2 : i32
      %mul3A_104 = arith.muli %scan3A_42, %mul3A_103 : i32
      %add3A_105 = arith.constant 1 : i32
      %add3A_106 = arith.addi %mul3A_104, %add3A_105 : i32
      %mul3A_107 = arith.constant 8 : i32
      %mul3A_108 = arith.muli %add3A_106, %mul3A_107 : i32
      %add3A_109 = arith.addi %mul3A_2, %mul3A_108 : i32
      %multiple_of3A_110 = tpu.assume_multiple %add3A_109, 8 : i32
      %dma_wait3A_111 = arith.constant 0 : i32
      %dma_wait3A_112 = arith.constant 0 : i32
      %dma_wait3A_113 = tpu.memref_slice %arg7[%dma_wait3A_111, %dma_wait3A_112] : memref<8x4096xf32, #tpu.memory_space<vmem>> -> memref<8x2048xf32, #tpu.memory_space<vmem>>
      %dma_wait3A_114 = arith.constant 0 : i32
      %dma_wait3A_115 = tpu.memref_slice %arg2[%multiple_of3A_110, %dma_wait3A_114] : memref<8192x4096xf32, #tpu.memory_space<hbm>> -> memref<8x2048xf32, #tpu.memory_space<hbm>>
      %dma_wait3A_116 = arith.constant 0 : i32
      %dma_wait3A_117 = arith.constant 0 : i32
      %dma_wait3A_118 = tpu.memref_slice %arg7[%dma_wait3A_116, %dma_wait3A_117] : memref<8x4096xf32, #tpu.memory_space<vmem>> -> memref<8x2048xf32, #tpu.memory_space<vmem>>
      %dma_wait3A_119 = arith.constant 0 : i32
      %dma_wait3A_120 = tpu.memref_slice %arg2[%multiple_of3A_110, %dma_wait3A_119] : memref<8192x4096xf32, #tpu.memory_space<hbm>> -> memref<8x2048xf32, #tpu.memory_space<hbm>>
      tpu.wait_dma2 semaphore(%arg11 : memref<!tpu.dma_semaphore, #tpu.memory_space<semaphore_mem>>) src(%dma_wait3A_120 : memref<8x2048xf32, #tpu.memory_space<hbm>>) dst(%dma_wait3A_118 : memref<8x2048xf32, #tpu.memory_space<vmem>>)
      %dma_wait3A_121 = arith.constant 0 : i32
      %dma_wait3A_122 = arith.constant 2048 : i32
      %dma_wait3A_123 = tpu.memref_slice %arg7[%dma_wait3A_121, %dma_wait3A_122] : memref<8x4096xf32, #tpu.memory_space<vmem>> -> memref<8x2048xf32, #tpu.memory_space<vmem>>
      %dma_wait3A_124 = arith.constant 2048 : i32
      %dma_wait3A_125 = tpu.memref_slice %arg2[%multiple_of3A_110, %dma_wait3A_124] : memref<8192x4096xf32, #tpu.memory_space<hbm>> -> memref<8x2048xf32, #tpu.memory_space<hbm>>
      %dma_wait3A_126 = arith.constant 0 : i32
      %dma_wait3A_127 = arith.constant 2048 : i32
      %dma_wait3A_128 = tpu.memref_slice %arg7[%dma_wait3A_126, %dma_wait3A_127] : memref<8x4096xf32, #tpu.memory_space<vmem>> -> memref<8x2048xf32, #tpu.memory_space<vmem>>
      %dma_wait3A_129 = arith.constant 2048 : i32
      %dma_wait3A_130 = tpu.memref_slice %arg2[%multiple_of3A_110, %dma_wait3A_129] : memref<8192x4096xf32, #tpu.memory_space<hbm>> -> memref<8x2048xf32, #tpu.memory_space<hbm>>
      tpu.wait_dma2 semaphore(%arg13 : memref<!tpu.dma_semaphore, #tpu.memory_space<semaphore_mem>>) src(%dma_wait3A_130 : memref<8x2048xf32, #tpu.memory_space<hbm>>) dst(%dma_wait3A_128 : memref<8x2048xf32, #tpu.memory_space<vmem>>)
      %add3A_131 = arith.constant 1 : i32
      %add3A_132 = arith.addi %add3A_106, %add3A_131 : i32
      %lt3A_133 = arith.constant 32 : i32
      %lt3A_134 = arith.cmpi slt, %add3A_132, %lt3A_133 : i32
      %convert_element_type3A_135 = arith.extui %lt3A_134 : i1 to i32
      %cond3A_136 = arith.constant 0 : i32
      %cond3A_137 = arith.cmpi ne, %convert_element_type3A_135, %cond3A_136 : i32
      scf.if %cond3A_137 {
        %add3A_170 = arith.constant 1 : i32
        %add3A_171 = arith.addi %add3A_106, %add3A_170 : i32
        %mul3A_172 = arith.constant 8 : i32
        %mul3A_173 = arith.muli %add3A_171, %mul3A_172 : i32
        %add3A_174 = arith.addi %mul3A_2, %mul3A_173 : i32
        %multiple_of3A_175 = tpu.assume_multiple %add3A_174, 8 : i32
        %dma_start3A_176 = arith.constant 0 : i32
        %dma_start3A_177 = arith.constant 0 : i32
        %dma_start3A_178 = tpu.memref_slice %arg6[%dma_start3A_176, %dma_start3A_177] : memref<8x4096xf32, #tpu.memory_space<vmem>> -> memref<8x2048xf32, #tpu.memory_space<vmem>>
        %dma_start3A_179 = arith.constant 0 : i32
        %dma_start3A_180 = tpu.memref_slice %arg2[%multiple_of3A_175, %dma_start3A_179] : memref<8192x4096xf32, #tpu.memory_space<hbm>> -> memref<8x2048xf32, #tpu.memory_space<hbm>>
        %dma_start3A_181 = arith.constant 0 : i32
        %dma_start3A_182 = arith.constant 0 : i32
        %dma_start3A_183 = tpu.memref_slice %arg6[%dma_start3A_181, %dma_start3A_182] : memref<8x4096xf32, #tpu.memory_space<vmem>> -> memref<8x2048xf32, #tpu.memory_space<vmem>>
        %dma_start3A_184 = arith.constant 0 : i32
        %dma_start3A_185 = tpu.memref_slice %arg2[%multiple_of3A_175, %dma_start3A_184] : memref<8192x4096xf32, #tpu.memory_space<hbm>> -> memref<8x2048xf32, #tpu.memory_space<hbm>>
        tpu.enqueue_dma source(%dma_start3A_185 : memref<8x2048xf32, #tpu.memory_space<hbm>>) target(%dma_start3A_183 : memref<8x2048xf32, #tpu.memory_space<vmem>>) target_semaphore(%arg10 : memref<!tpu.dma_semaphore, #tpu.memory_space<semaphore_mem>>)
        %dma_start3A_186 = arith.constant 0 : i32
        %dma_start3A_187 = arith.constant 2048 : i32
        %dma_start3A_188 = tpu.memref_slice %arg6[%dma_start3A_186, %dma_start3A_187] : memref<8x4096xf32, #tpu.memory_space<vmem>> -> memref<8x2048xf32, #tpu.memory_space<vmem>>
        %dma_start3A_189 = arith.constant 2048 : i32
        %dma_start3A_190 = tpu.memref_slice %arg2[%multiple_of3A_175, %dma_start3A_189] : memref<8192x4096xf32, #tpu.memory_space<hbm>> -> memref<8x2048xf32, #tpu.memory_space<hbm>>
        %dma_start3A_191 = arith.constant 0 : i32
        %dma_start3A_192 = arith.constant 2048 : i32
        %dma_start3A_193 = tpu.memref_slice %arg6[%dma_start3A_191, %dma_start3A_192] : memref<8x4096xf32, #tpu.memory_space<vmem>> -> memref<8x2048xf32, #tpu.memory_space<vmem>>
        %dma_start3A_194 = arith.constant 2048 : i32
        %dma_start3A_195 = tpu.memref_slice %arg2[%multiple_of3A_175, %dma_start3A_194] : memref<8192x4096xf32, #tpu.memory_space<hbm>> -> memref<8x2048xf32, #tpu.memory_space<hbm>>
        tpu.enqueue_dma source(%dma_start3A_195 : memref<8x2048xf32, #tpu.memory_space<hbm>>) target(%dma_start3A_193 : memref<8x2048xf32, #tpu.memory_space<vmem>>) target_semaphore(%arg12 : memref<!tpu.dma_semaphore, #tpu.memory_space<semaphore_mem>>)
      } else {
      }
      %gt3A_138 = arith.constant 0 : i32
      %gt3A_139 = arith.cmpi sgt, %add3A_106, %gt3A_138 : i32
      %convert_element_type3A_140 = arith.extui %gt3A_139 : i1 to i32
      %cond3A_141 = arith.constant 0 : i32
      %cond3A_142 = arith.cmpi ne, %convert_element_type3A_140, %cond3A_141 : i32
      scf.if %cond3A_142 {
        %sub3A = arith.constant 1 : i32
        %sub3A_170 = arith.subi %add3A_106, %sub3A : i32
        %mul3A_171 = arith.constant 8 : i32
        %mul3A_172 = arith.muli %sub3A_170, %mul3A_171 : i32
        %add3A_173 = arith.addi %mul3A_2, %mul3A_172 : i32
        %multiple_of3A_174 = tpu.assume_multiple %add3A_173, 8 : i32
        %dma_wait3A_175 = arith.constant 0 : i32
        %dma_wait3A_176 = tpu.memref_slice %arg4[%multiple_of3A_174, %dma_wait3A_175] : memref<8192x4096xf32, #tpu.memory_space<hbm>> -> memref<8x2048xf32, #tpu.memory_space<hbm>>
        %dma_wait3A_177 = arith.constant 0 : i32
        %dma_wait3A_178 = tpu.memref_slice %arg4[%multiple_of3A_174, %dma_wait3A_177] : memref<8192x4096xf32, #tpu.memory_space<hbm>> -> memref<8x2048xf32, #tpu.memory_space<hbm>>
        tpu.wait_dma2 semaphore(%arg14 : memref<!tpu.dma_semaphore, #tpu.memory_space<semaphore_mem>>) src(%arg8 : memref<8x2048xf32, #tpu.memory_space<vmem>>) dst(%dma_wait3A_178 : memref<8x2048xf32, #tpu.memory_space<hbm>>)
      } else {
      }
      %parallel_loop3A_143 = arith.constant 0 : i32
      %parallel_loop3A_144 = arith.constant 128 : i32
      %parallel_loop3A_145 = arith.constant 1 : i32
      scf.for %parallel_loop3A_170 = %parallel_loop3A_143 to %parallel_loop3A_144 step %parallel_loop3A_145  : i32 {
        %parallel_loop3A_171 = arith.constant 16 : i32
        %parallel_loop3A_172 = arith.muli %parallel_loop3A_170, %parallel_loop3A_171 : i32
        %parallel_loop3A_173 = arith.constant 0 : i32
        %parallel_loop3A_174 = arith.addi %parallel_loop3A_173, %parallel_loop3A_172 : i32
        %parallel_loop3A_175 = tpu.assume_multiple %parallel_loop3A_174, 16 : i32
        %parallel_loop3A_176 = arith.index_cast %parallel_loop3A_175 : i32 to index
        %parallel_loop3A_177 = tpu.vector_load %arg5[%parallel_loop3A_176] {strides = array<i32>} : memref<4096xi32, #tpu.memory_space<vmem>>, vector<16xi32>,
        %parallel_loop3A_178 = arith.constant 0 : i32
        %parallel_loop3A_179 = vector.broadcast %parallel_loop3A_178 : i32 to vector<16xi32>
        %parallel_loop3A_180 = tpu.vector_load_idx %arg7[%parallel_loop3A_179, %parallel_loop3A_177] : memref<8x4096xf32, #tpu.memory_space<vmem>>[vector<16xi32>, vector<16xi32>], vector<16xf32>,
        %parallel_loop3A_181 = arith.constant 16 : i32
        %parallel_loop3A_182 = arith.muli %parallel_loop3A_170, %parallel_loop3A_181 : i32
        %parallel_loop3A_183 = arith.constant 0 : i32
        %parallel_loop3A_184 = arith.index_cast %parallel_loop3A_183 : i32 to index
        %parallel_loop3A_185 = arith.index_cast %parallel_loop3A_182 : i32 to index
        %parallel_loop3A_186 = tpu.vector_load %arg8[%parallel_loop3A_184, %parallel_loop3A_185] {strides = array<i32>} : memref<8x2048xf32, #tpu.memory_space<vmem>>, vector<16xf32>,
        tpu.vector_store %arg8[%parallel_loop3A_184, %parallel_loop3A_185], %parallel_loop3A_180 {strides = array<i32>} : memref<8x2048xf32, #tpu.memory_space<vmem>>, vector<16xf32>,
        %parallel_loop3A_187 = arith.constant 1 : i32
        %parallel_loop3A_188 = vector.broadcast %parallel_loop3A_187 : i32 to vector<16xi32>
        %parallel_loop3A_189 = tpu.vector_load_idx %arg7[%parallel_loop3A_188, %parallel_loop3A_177] : memref<8x4096xf32, #tpu.memory_space<vmem>>[vector<16xi32>, vector<16xi32>], vector<16xf32>,
        %parallel_loop3A_190 = arith.constant 16 : i32
        %parallel_loop3A_191 = arith.muli %parallel_loop3A_170, %parallel_loop3A_190 : i32
        %parallel_loop3A_192 = arith.constant 1 : i32
        %parallel_loop3A_193 = arith.index_cast %parallel_loop3A_192 : i32 to index
        %parallel_loop3A_194 = arith.index_cast %parallel_loop3A_191 : i32 to index
        %parallel_loop3A_195 = tpu.vector_load %arg8[%parallel_loop3A_193, %parallel_loop3A_194] {strides = array<i32>} : memref<8x2048xf32, #tpu.memory_space<vmem>>, vector<16xf32>,
        tpu.vector_store %arg8[%parallel_loop3A_193, %parallel_loop3A_194], %parallel_loop3A_189 {strides = array<i32>} : memref<8x2048xf32, #tpu.memory_space<vmem>>, vector<16xf32>,
        %parallel_loop3A_196 = arith.constant 2 : i32
        %parallel_loop3A_197 = vector.broadcast %parallel_loop3A_196 : i32 to vector<16xi32>
        %parallel_loop3A_198 = tpu.vector_load_idx %arg7[%parallel_loop3A_197, %parallel_loop3A_177] : memref<8x4096xf32, #tpu.memory_space<vmem>>[vector<16xi32>, vector<16xi32>], vector<16xf32>,
        %parallel_loop3A_199 = arith.constant 16 : i32
        %parallel_loop3A_200 = arith.muli %parallel_loop3A_170, %parallel_loop3A_199 : i32
        %parallel_loop3A_201 = arith.constant 2 : i32
        %parallel_loop3A_202 = arith.index_cast %parallel_loop3A_201 : i32 to index
        %parallel_loop3A_203 = arith.index_cast %parallel_loop3A_200 : i32 to index
        %parallel_loop3A_204 = tpu.vector_load %arg8[%parallel_loop3A_202, %parallel_loop3A_203] {strides = array<i32>} : memref<8x2048xf32, #tpu.memory_space<vmem>>, vector<16xf32>,
        tpu.vector_store %arg8[%parallel_loop3A_202, %parallel_loop3A_203], %parallel_loop3A_198 {strides = array<i32>} : memref<8x2048xf32, #tpu.memory_space<vmem>>, vector<16xf32>,
        %parallel_loop3A_205 = arith.constant 3 : i32
        %parallel_loop3A_206 = vector.broadcast %parallel_loop3A_205 : i32 to vector<16xi32>
        %parallel_loop3A_207 = tpu.vector_load_idx %arg7[%parallel_loop3A_206, %parallel_loop3A_177] : memref<8x4096xf32, #tpu.memory_space<vmem>>[vector<16xi32>, vector<16xi32>], vector<16xf32>,
        %parallel_loop3A_208 = arith.constant 16 : i32
        %parallel_loop3A_209 = arith.muli %parallel_loop3A_170, %parallel_loop3A_208 : i32
        %parallel_loop3A_210 = arith.constant 3 : i32
        %parallel_loop3A_211 = arith.index_cast %parallel_loop3A_210 : i32 to index
        %parallel_loop3A_212 = arith.index_cast %parallel_loop3A_209 : i32 to index
        %parallel_loop3A_213 = tpu.vector_load %arg8[%parallel_loop3A_211, %parallel_loop3A_212] {strides = array<i32>} : memref<8x2048xf32, #tpu.memory_space<vmem>>, vector<16xf32>,
        tpu.vector_store %arg8[%parallel_loop3A_211, %parallel_loop3A_212], %parallel_loop3A_207 {strides = array<i32>} : memref<8x2048xf32, #tpu.memory_space<vmem>>, vector<16xf32>,
        %parallel_loop3A_214 = arith.constant 4 : i32
        %parallel_loop3A_215 = vector.broadcast %parallel_loop3A_214 : i32 to vector<16xi32>
        %parallel_loop3A_216 = tpu.vector_load_idx %arg7[%parallel_loop3A_215, %parallel_loop3A_177] : memref<8x4096xf32, #tpu.memory_space<vmem>>[vector<16xi32>, vector<16xi32>], vector<16xf32>,
        %parallel_loop3A_217 = arith.constant 16 : i32
        %parallel_loop3A_218 = arith.muli %parallel_loop3A_170, %parallel_loop3A_217 : i32
        %parallel_loop3A_219 = arith.constant 4 : i32
        %parallel_loop3A_220 = arith.index_cast %parallel_loop3A_219 : i32 to index
        %parallel_loop3A_221 = arith.index_cast %parallel_loop3A_218 : i32 to index
        %parallel_loop3A_222 = tpu.vector_load %arg8[%parallel_loop3A_220, %parallel_loop3A_221] {strides = array<i32>} : memref<8x2048xf32, #tpu.memory_space<vmem>>, vector<16xf32>,
        tpu.vector_store %arg8[%parallel_loop3A_220, %parallel_loop3A_221], %parallel_loop3A_216 {strides = array<i32>} : memref<8x2048xf32, #tpu.memory_space<vmem>>, vector<16xf32>,
        %parallel_loop3A_223 = arith.constant 5 : i32
        %parallel_loop3A_224 = vector.broadcast %parallel_loop3A_223 : i32 to vector<16xi32>
        %parallel_loop3A_225 = tpu.vector_load_idx %arg7[%parallel_loop3A_224, %parallel_loop3A_177] : memref<8x4096xf32, #tpu.memory_space<vmem>>[vector<16xi32>, vector<16xi32>], vector<16xf32>,
        %parallel_loop3A_226 = arith.constant 16 : i32
        %parallel_loop3A_227 = arith.muli %parallel_loop3A_170, %parallel_loop3A_226 : i32
        %parallel_loop3A_228 = arith.constant 5 : i32
        %parallel_loop3A_229 = arith.index_cast %parallel_loop3A_228 : i32 to index
        %parallel_loop3A_230 = arith.index_cast %parallel_loop3A_227 : i32 to index
        %parallel_loop3A_231 = tpu.vector_load %arg8[%parallel_loop3A_229, %parallel_loop3A_230] {strides = array<i32>} : memref<8x2048xf32, #tpu.memory_space<vmem>>, vector<16xf32>,
        tpu.vector_store %arg8[%parallel_loop3A_229, %parallel_loop3A_230], %parallel_loop3A_225 {strides = array<i32>} : memref<8x2048xf32, #tpu.memory_space<vmem>>, vector<16xf32>,
        %parallel_loop3A_232 = arith.constant 6 : i32
        %parallel_loop3A_233 = vector.broadcast %parallel_loop3A_232 : i32 to vector<16xi32>
        %parallel_loop3A_234 = tpu.vector_load_idx %arg7[%parallel_loop3A_233, %parallel_loop3A_177] : memref<8x4096xf32, #tpu.memory_space<vmem>>[vector<16xi32>, vector<16xi32>], vector<16xf32>,
        %parallel_loop3A_235 = arith.constant 16 : i32
        %parallel_loop3A_236 = arith.muli %parallel_loop3A_170, %parallel_loop3A_235 : i32
        %parallel_loop3A_237 = arith.constant 6 : i32
        %parallel_loop3A_238 = arith.index_cast %parallel_loop3A_237 : i32 to index
        %parallel_loop3A_239 = arith.index_cast %parallel_loop3A_236 : i32 to index
        %parallel_loop3A_240 = tpu.vector_load %arg8[%parallel_loop3A_238, %parallel_loop3A_239] {strides = array<i32>} : memref<8x2048xf32, #tpu.memory_space<vmem>>, vector<16xf32>,
        tpu.vector_store %arg8[%parallel_loop3A_238, %parallel_loop3A_239], %parallel_loop3A_234 {strides = array<i32>} : memref<8x2048xf32, #tpu.memory_space<vmem>>, vector<16xf32>,
        %parallel_loop3A_241 = arith.constant 7 : i32
        %parallel_loop3A_242 = vector.broadcast %parallel_loop3A_241 : i32 to vector<16xi32>
        %parallel_loop3A_243 = tpu.vector_load_idx %arg7[%parallel_loop3A_242, %parallel_loop3A_177] : memref<8x4096xf32, #tpu.memory_space<vmem>>[vector<16xi32>, vector<16xi32>], vector<16xf32>,
        %parallel_loop3A_244 = arith.constant 16 : i32
        %parallel_loop3A_245 = arith.muli %parallel_loop3A_170, %parallel_loop3A_244 : i32
        %parallel_loop3A_246 = arith.constant 7 : i32
        %parallel_loop3A_247 = arith.index_cast %parallel_loop3A_246 : i32 to index
        %parallel_loop3A_248 = arith.index_cast %parallel_loop3A_245 : i32 to index
        %parallel_loop3A_249 = tpu.vector_load %arg8[%parallel_loop3A_247, %parallel_loop3A_248] {strides = array<i32>} : memref<8x2048xf32, #tpu.memory_space<vmem>>, vector<16xf32>,
        tpu.vector_store %arg8[%parallel_loop3A_247, %parallel_loop3A_248], %parallel_loop3A_243 {strides = array<i32>} : memref<8x2048xf32, #tpu.memory_space<vmem>>, vector<16xf32>,
      } {sc.loop_unroll_factor = 4 : i64, sc.parallel_access}
      %mul3A_146 = arith.constant 8 : i32
      %mul3A_147 = arith.muli %add3A_106, %mul3A_146 : i32
      %add3A_148 = arith.addi %mul3A_2, %mul3A_147 : i32
      %multiple_of3A_149 = tpu.assume_multiple %add3A_148, 8 : i32
      %dma_start3A_150 = arith.constant 0 : i32
      %dma_start3A_151 = tpu.memref_slice %arg4[%multiple_of3A_149, %dma_start3A_150] : memref<8192x4096xf32, #tpu.memory_space<hbm>> -> memref<8x2048xf32, #tpu.memory_space<hbm>>
      %dma_start3A_152 = arith.constant 0 : i32
      %dma_start3A_153 = tpu.memref_slice %arg4[%multiple_of3A_149, %dma_start3A_152] : memref<8192x4096xf32, #tpu.memory_space<hbm>> -> memref<8x2048xf32, #tpu.memory_space<hbm>>
      tpu.enqueue_dma source(%arg8 : memref<8x2048xf32, #tpu.memory_space<vmem>>) target(%dma_start3A_153 : memref<8x2048xf32, #tpu.memory_space<hbm>>) target_semaphore(%arg14 : memref<!tpu.dma_semaphore, #tpu.memory_space<semaphore_mem>>)
      %gt3A_154 = arith.constant 0 : i32
      %gt3A_155 = arith.cmpi sgt, %add3A_106, %gt3A_154 : i32
      %convert_element_type3A_156 = arith.extui %gt3A_155 : i1 to i32
      %cond3A_157 = arith.constant 0 : i32
      %cond3A_158 = arith.cmpi ne, %convert_element_type3A_156, %cond3A_157 : i32
      scf.if %cond3A_158 {
        %sub3A = arith.constant 1 : i32
        %sub3A_170 = arith.subi %add3A_106, %sub3A : i32
        %mul3A_171 = arith.constant 8 : i32
        %mul3A_172 = arith.muli %sub3A_170, %mul3A_171 : i32
        %add3A_173 = arith.addi %mul3A_2, %mul3A_172 : i32
        %multiple_of3A_174 = tpu.assume_multiple %add3A_173, 8 : i32
        %dma_wait3A_175 = arith.constant 2048 : i32
        %dma_wait3A_176 = tpu.memref_slice %arg4[%multiple_of3A_174, %dma_wait3A_175] : memref<8192x4096xf32, #tpu.memory_space<hbm>> -> memref<8x2048xf32, #tpu.memory_space<hbm>>
        %dma_wait3A_177 = arith.constant 2048 : i32
        %dma_wait3A_178 = tpu.memref_slice %arg4[%multiple_of3A_174, %dma_wait3A_177] : memref<8192x4096xf32, #tpu.memory_space<hbm>> -> memref<8x2048xf32, #tpu.memory_space<hbm>>
        tpu.wait_dma2 semaphore(%arg15 : memref<!tpu.dma_semaphore, #tpu.memory_space<semaphore_mem>>) src(%arg9 : memref<8x2048xf32, #tpu.memory_space<vmem>>) dst(%dma_wait3A_178 : memref<8x2048xf32, #tpu.memory_space<hbm>>)
      } else {
      }
      %parallel_loop3A_159 = arith.constant 0 : i32
      %parallel_loop3A_160 = arith.constant 128 : i32
      %parallel_loop3A_161 = arith.constant 1 : i32
      scf.for %parallel_loop3A_170 = %parallel_loop3A_159 to %parallel_loop3A_160 step %parallel_loop3A_161  : i32 {
        %parallel_loop3A_171 = arith.constant 16 : i32
        %parallel_loop3A_172 = arith.muli %parallel_loop3A_170, %parallel_loop3A_171 : i32
        %parallel_loop3A_173 = arith.constant 2048 : i32
        %parallel_loop3A_174 = arith.addi %parallel_loop3A_173, %parallel_loop3A_172 : i32
        %parallel_loop3A_175 = tpu.assume_multiple %parallel_loop3A_174, 16 : i32
        %parallel_loop3A_176 = arith.index_cast %parallel_loop3A_175 : i32 to index
        %parallel_loop3A_177 = tpu.vector_load %arg5[%parallel_loop3A_176] {strides = array<i32>} : memref<4096xi32, #tpu.memory_space<vmem>>, vector<16xi32>,
        %parallel_loop3A_178 = arith.constant 0 : i32
        %parallel_loop3A_179 = vector.broadcast %parallel_loop3A_178 : i32 to vector<16xi32>
        %parallel_loop3A_180 = tpu.vector_load_idx %arg7[%parallel_loop3A_179, %parallel_loop3A_177] : memref<8x4096xf32, #tpu.memory_space<vmem>>[vector<16xi32>, vector<16xi32>], vector<16xf32>,
        %parallel_loop3A_181 = arith.constant 16 : i32
        %parallel_loop3A_182 = arith.muli %parallel_loop3A_170, %parallel_loop3A_181 : i32
        %parallel_loop3A_183 = arith.constant 0 : i32
        %parallel_loop3A_184 = arith.index_cast %parallel_loop3A_183 : i32 to index
        %parallel_loop3A_185 = arith.index_cast %parallel_loop3A_182 : i32 to index
        %parallel_loop3A_186 = tpu.vector_load %arg9[%parallel_loop3A_184, %parallel_loop3A_185] {strides = array<i32>} : memref<8x2048xf32, #tpu.memory_space<vmem>>, vector<16xf32>,
        tpu.vector_store %arg9[%parallel_loop3A_184, %parallel_loop3A_185], %parallel_loop3A_180 {strides = array<i32>} : memref<8x2048xf32, #tpu.memory_space<vmem>>, vector<16xf32>,
        %parallel_loop3A_187 = arith.constant 1 : i32
        %parallel_loop3A_188 = vector.broadcast %parallel_loop3A_187 : i32 to vector<16xi32>
        %parallel_loop3A_189 = tpu.vector_load_idx %arg7[%parallel_loop3A_188, %parallel_loop3A_177] : memref<8x4096xf32, #tpu.memory_space<vmem>>[vector<16xi32>, vector<16xi32>], vector<16xf32>,
        %parallel_loop3A_190 = arith.constant 16 : i32
        %parallel_loop3A_191 = arith.muli %parallel_loop3A_170, %parallel_loop3A_190 : i32
        %parallel_loop3A_192 = arith.constant 1 : i32
        %parallel_loop3A_193 = arith.index_cast %parallel_loop3A_192 : i32 to index
        %parallel_loop3A_194 = arith.index_cast %parallel_loop3A_191 : i32 to index
        %parallel_loop3A_195 = tpu.vector_load %arg9[%parallel_loop3A_193, %parallel_loop3A_194] {strides = array<i32>} : memref<8x2048xf32, #tpu.memory_space<vmem>>, vector<16xf32>,
        tpu.vector_store %arg9[%parallel_loop3A_193, %parallel_loop3A_194], %parallel_loop3A_189 {strides = array<i32>} : memref<8x2048xf32, #tpu.memory_space<vmem>>, vector<16xf32>,
        %parallel_loop3A_196 = arith.constant 2 : i32
        %parallel_loop3A_197 = vector.broadcast %parallel_loop3A_196 : i32 to vector<16xi32>
        %parallel_loop3A_198 = tpu.vector_load_idx %arg7[%parallel_loop3A_197, %parallel_loop3A_177] : memref<8x4096xf32, #tpu.memory_space<vmem>>[vector<16xi32>, vector<16xi32>], vector<16xf32>,
        %parallel_loop3A_199 = arith.constant 16 : i32
        %parallel_loop3A_200 = arith.muli %parallel_loop3A_170, %parallel_loop3A_199 : i32
        %parallel_loop3A_201 = arith.constant 2 : i32
        %parallel_loop3A_202 = arith.index_cast %parallel_loop3A_201 : i32 to index
        %parallel_loop3A_203 = arith.index_cast %parallel_loop3A_200 : i32 to index
        %parallel_loop3A_204 = tpu.vector_load %arg9[%parallel_loop3A_202, %parallel_loop3A_203] {strides = array<i32>} : memref<8x2048xf32, #tpu.memory_space<vmem>>, vector<16xf32>,
        tpu.vector_store %arg9[%parallel_loop3A_202, %parallel_loop3A_203], %parallel_loop3A_198 {strides = array<i32>} : memref<8x2048xf32, #tpu.memory_space<vmem>>, vector<16xf32>,
        %parallel_loop3A_205 = arith.constant 3 : i32
        %parallel_loop3A_206 = vector.broadcast %parallel_loop3A_205 : i32 to vector<16xi32>
        %parallel_loop3A_207 = tpu.vector_load_idx %arg7[%parallel_loop3A_206, %parallel_loop3A_177] : memref<8x4096xf32, #tpu.memory_space<vmem>>[vector<16xi32>, vector<16xi32>], vector<16xf32>,
        %parallel_loop3A_208 = arith.constant 16 : i32
        %parallel_loop3A_209 = arith.muli %parallel_loop3A_170, %parallel_loop3A_208 : i32
        %parallel_loop3A_210 = arith.constant 3 : i32
        %parallel_loop3A_211 = arith.index_cast %parallel_loop3A_210 : i32 to index
        %parallel_loop3A_212 = arith.index_cast %parallel_loop3A_209 : i32 to index
        %parallel_loop3A_213 = tpu.vector_load %arg9[%parallel_loop3A_211, %parallel_loop3A_212] {strides = array<i32>} : memref<8x2048xf32, #tpu.memory_space<vmem>>, vector<16xf32>,
        tpu.vector_store %arg9[%parallel_loop3A_211, %parallel_loop3A_212], %parallel_loop3A_207 {strides = array<i32>} : memref<8x2048xf32, #tpu.memory_space<vmem>>, vector<16xf32>,
        %parallel_loop3A_214 = arith.constant 4 : i32
        %parallel_loop3A_215 = vector.broadcast %parallel_loop3A_214 : i32 to vector<16xi32>
        %parallel_loop3A_216 = tpu.vector_load_idx %arg7[%parallel_loop3A_215, %parallel_loop3A_177] : memref<8x4096xf32, #tpu.memory_space<vmem>>[vector<16xi32>, vector<16xi32>], vector<16xf32>,
        %parallel_loop3A_217 = arith.constant 16 : i32
        %parallel_loop3A_218 = arith.muli %parallel_loop3A_170, %parallel_loop3A_217 : i32
        %parallel_loop3A_219 = arith.constant 4 : i32
        %parallel_loop3A_220 = arith.index_cast %parallel_loop3A_219 : i32 to index
        %parallel_loop3A_221 = arith.index_cast %parallel_loop3A_218 : i32 to index
        %parallel_loop3A_222 = tpu.vector_load %arg9[%parallel_loop3A_220, %parallel_loop3A_221] {strides = array<i32>} : memref<8x2048xf32, #tpu.memory_space<vmem>>, vector<16xf32>,
        tpu.vector_store %arg9[%parallel_loop3A_220, %parallel_loop3A_221], %parallel_loop3A_216 {strides = array<i32>} : memref<8x2048xf32, #tpu.memory_space<vmem>>, vector<16xf32>,
        %parallel_loop3A_223 = arith.constant 5 : i32
        %parallel_loop3A_224 = vector.broadcast %parallel_loop3A_223 : i32 to vector<16xi32>
        %parallel_loop3A_225 = tpu.vector_load_idx %arg7[%parallel_loop3A_224, %parallel_loop3A_177] : memref<8x4096xf32, #tpu.memory_space<vmem>>[vector<16xi32>, vector<16xi32>], vector<16xf32>,
        %parallel_loop3A_226 = arith.constant 16 : i32
        %parallel_loop3A_227 = arith.muli %parallel_loop3A_170, %parallel_loop3A_226 : i32
        %parallel_loop3A_228 = arith.constant 5 : i32
        %parallel_loop3A_229 = arith.index_cast %parallel_loop3A_228 : i32 to index
        %parallel_loop3A_230 = arith.index_cast %parallel_loop3A_227 : i32 to index
        %parallel_loop3A_231 = tpu.vector_load %arg9[%parallel_loop3A_229, %parallel_loop3A_230] {strides = array<i32>} : memref<8x2048xf32, #tpu.memory_space<vmem>>, vector<16xf32>,
        tpu.vector_store %arg9[%parallel_loop3A_229, %parallel_loop3A_230], %parallel_loop3A_225 {strides = array<i32>} : memref<8x2048xf32, #tpu.memory_space<vmem>>, vector<16xf32>,
        %parallel_loop3A_232 = arith.constant 6 : i32
        %parallel_loop3A_233 = vector.broadcast %parallel_loop3A_232 : i32 to vector<16xi32>
        %parallel_loop3A_234 = tpu.vector_load_idx %arg7[%parallel_loop3A_233, %parallel_loop3A_177] : memref<8x4096xf32, #tpu.memory_space<vmem>>[vector<16xi32>, vector<16xi32>], vector<16xf32>,
        %parallel_loop3A_235 = arith.constant 16 : i32
        %parallel_loop3A_236 = arith.muli %parallel_loop3A_170, %parallel_loop3A_235 : i32
        %parallel_loop3A_237 = arith.constant 6 : i32
        %parallel_loop3A_238 = arith.index_cast %parallel_loop3A_237 : i32 to index
        %parallel_loop3A_239 = arith.index_cast %parallel_loop3A_236 : i32 to index
        %parallel_loop3A_240 = tpu.vector_load %arg9[%parallel_loop3A_238, %parallel_loop3A_239] {strides = array<i32>} : memref<8x2048xf32, #tpu.memory_space<vmem>>, vector<16xf32>,
        tpu.vector_store %arg9[%parallel_loop3A_238, %parallel_loop3A_239], %parallel_loop3A_234 {strides = array<i32>} : memref<8x2048xf32, #tpu.memory_space<vmem>>, vector<16xf32>,
        %parallel_loop3A_241 = arith.constant 7 : i32
        %parallel_loop3A_242 = vector.broadcast %parallel_loop3A_241 : i32 to vector<16xi32>
        %parallel_loop3A_243 = tpu.vector_load_idx %arg7[%parallel_loop3A_242, %parallel_loop3A_177] : memref<8x4096xf32, #tpu.memory_space<vmem>>[vector<16xi32>, vector<16xi32>], vector<16xf32>,
        %parallel_loop3A_244 = arith.constant 16 : i32
        %parallel_loop3A_245 = arith.muli %parallel_loop3A_170, %parallel_loop3A_244 : i32
        %parallel_loop3A_246 = arith.constant 7 : i32
        %parallel_loop3A_247 = arith.index_cast %parallel_loop3A_246 : i32 to index
        %parallel_loop3A_248 = arith.index_cast %parallel_loop3A_245 : i32 to index
        %parallel_loop3A_249 = tpu.vector_load %arg9[%parallel_loop3A_247, %parallel_loop3A_248] {strides = array<i32>} : memref<8x2048xf32, #tpu.memory_space<vmem>>, vector<16xf32>,
        tpu.vector_store %arg9[%parallel_loop3A_247, %parallel_loop3A_248], %parallel_loop3A_243 {strides = array<i32>} : memref<8x2048xf32, #tpu.memory_space<vmem>>, vector<16xf32>,
      } {sc.loop_unroll_factor = 4 : i64, sc.parallel_access}
      %mul3A_162 = arith.constant 8 : i32
      %mul3A_163 = arith.muli %add3A_106, %mul3A_162 : i32
      %add3A_164 = arith.addi %mul3A_2, %mul3A_163 : i32
      %multiple_of3A_165 = tpu.assume_multiple %add3A_164, 8 : i32
      %dma_start3A_166 = arith.constant 2048 : i32
      %dma_start3A_167 = tpu.memref_slice %arg4[%multiple_of3A_165, %dma_start3A_166] : memref<8192x4096xf32, #tpu.memory_space<hbm>> -> memref<8x2048xf32, #tpu.memory_space<hbm>>
      %dma_start3A_168 = arith.constant 2048 : i32
      %dma_start3A_169 = tpu.memref_slice %arg4[%multiple_of3A_165, %dma_start3A_168] : memref<8192x4096xf32, #tpu.memory_space<hbm>> -> memref<8x2048xf32, #tpu.memory_space<hbm>>
      tpu.enqueue_dma source(%arg9 : memref<8x2048xf32, #tpu.memory_space<vmem>>) target(%dma_start3A_169 : memref<8x2048xf32, #tpu.memory_space<hbm>>) target_semaphore(%arg15 : memref<!tpu.dma_semaphore, #tpu.memory_space<semaphore_mem>>)
    }
    %scan3A_28 = arith.constant 16 : i32
    %add3A_29 = arith.constant 248 : i32
    %add3A_30 = arith.addi %mul3A_2, %add3A_29 : i32
    %multiple_of3A_31 = tpu.assume_multiple %add3A_30, 8 : i32
    %dma_wait3A = arith.constant 0 : i32
    %dma_wait3A_32 = tpu.memref_slice %arg4[%multiple_of3A_31, %dma_wait3A] : memref<8192x4096xf32, #tpu.memory_space<hbm>> -> memref<8x2048xf32, #tpu.memory_space<hbm>>
    %dma_wait3A_33 = arith.constant 0 : i32
    %dma_wait3A_34 = tpu.memref_slice %arg4[%multiple_of3A_31, %dma_wait3A_33] : memref<8192x4096xf32, #tpu.memory_space<hbm>> -> memref<8x2048xf32, #tpu.memory_space<hbm>>
    tpu.wait_dma2 semaphore(%arg14 : memref<!tpu.dma_semaphore, #tpu.memory_space<semaphore_mem>>) src(%arg8 : memref<8x2048xf32, #tpu.memory_space<vmem>>) dst(%dma_wait3A_34 : memref<8x2048xf32, #tpu.memory_space<hbm>>)
    %add3A_35 = arith.constant 248 : i32
    %add3A_36 = arith.addi %mul3A_2, %add3A_35 : i32
    %multiple_of3A_37 = tpu.assume_multiple %add3A_36, 8 : i32
    %dma_wait3A_38 = arith.constant 2048 : i32
    %dma_wait3A_39 = tpu.memref_slice %arg4[%multiple_of3A_37, %dma_wait3A_38] : memref<8192x4096xf32, #tpu.memory_space<hbm>> -> memref<8x2048xf32, #tpu.memory_space<hbm>>
    %dma_wait3A_40 = arith.constant 2048 : i32
    %dma_wait3A_41 = tpu.memref_slice %arg4[%multiple_of3A_37, %dma_wait3A_40] : memref<8192x4096xf32, #tpu.memory_space<hbm>> -> memref<8x2048xf32, #tpu.memory_space<hbm>>
    tpu.wait_dma2 semaphore(%arg15 : memref<!tpu.dma_semaphore, #tpu.memory_space<semaphore_mem>>) src(%arg9 : memref<8x2048xf32, #tpu.memory_space<vmem>>) dst(%dma_wait3A_41 : memref<8x2048xf32, #tpu.memory_space<hbm>>)
    return
  }
}

</mosaic_0001>

<sc_bundles>
// kernel: kernel.3.cloned.1.call-start
scs
__scs_entry_jumppad:
0x0: {  	(pc) =	sbr.rel $0x88, $3  }
0x1: {  	(tag) =	ssettag $0x0;
	lr =	simm.s32 $0x1  }
0x2: {  	[smem:$0x3F9F] =	sst lr;
	_ =	strace $0xD0000000  }
0x3: {  	_ = 	snop  }
0x4: {  	_ = 	snop  }
0x5: {  	_ = 	snop  }
0x6: {  	_ = 	snop  }
0x7: {  	_ = 	snop  }
__scs_overlays_trampoline_lowered:
0x8: {  	[smem:$0x3FAE] =	sst s0  }
0x9: {  	[smem:$0x3FAF] =	sst s1  }
0xa: {  	[smem:$0x3FB0] =	sst s2  }
0xb: {  	[smem:$0x3FB1] =	sst s3  }
0xc: {  	[smem:$0x3FB2] =	sst s4  }
0xd: {  	[smem:$0x3FB3] =	sst s5  }
0xe: {  	[smem:$0x3FB4] =	sst s6  }
0xf: {  	[smem:$0x3FB5] =	sst s7  }
0x10: {  	[smem:$0x3FB6] =	sst s8  }
0x11: {  	[smem:$0x3FB7] =	sst s9;
	s0 =	simm.s32 @!p0 $0x0  }
0x12: {  	s1 =	sld [smem:$0x3F9D];
	s0 =	simm.s32 @p0 $0x1  }
0x13: {  	[smem:$0x3FB8] =	sst s0;
	s0 =	simm.s32 @!p1 $0x0  }
0x14: {  	s2 =	sld [smem:$0x3F9C];
	s0 =	simm.s32 @p1 $0x1  }
0x15: {  	[smem:$0x3FB9] =	sst s0;
	s0 =	simm.s32 @!p2 $0x0  }
0x16: {  	s3 =	sld [smem:$0x3FDB];
	s0 =	simm.s32 @p2 $0x1  }
0x17: {  	s4 =	simm.s32 $0x1BF5;
	[smem:$0x3FBB] =	sst s0  }
0x18: {  	s0 =	sld [smem:$0x3F9E];
	_ =	swait.ge [sflag:s4], $0x0  }
0x19: {  	s7 =	sld [smem:$0x3F9F]  }
0x1a: {  	s8 =	sadd.s32 $0xFFFFE003, lr  }
0x1b: {  	s9 =	sadd.s32 $0xFFFFFEF7, lr;
	s5 =	simm.s32 $0xFFFFFFFF;
	p2 =	slt.u32 s8, $0xFFFFF086  }
0x1c: {  	p1 =	slt.u32 s9, $0xF7A;
	s5 =	simm.s32 @!p2 $0x0  }
0x1d: {  	s5 =	simm.s32 @p1 $0x1;
	p0 =	seq.s32 s7, s2  }
0x1e: {  	s7 =	smul.u32 @!p0 $0xF7A, s2;
	p2 =	seq.s32 @!p0 s5, $0x0  }
0x1f: {  	s9 =	smul.u32 $0xF7A, s1;
	s8 =	simm.s32 @!p0 $0x1BF5;
	p2 =	por !p2, p0  }
0x20: {  	[sflag:s8] =	ssyncset.s32 @!p0 $0xFFFFF086;
	s6 =	sadd.s32 @!p0 s3, s7;
	s7 =	simm.s32 @!p0 $0x108  }
0x21: {  	s3 =	sadd.s32 s3, s9;
	s6 =	sadd.s32 @!p0 $0x88, s6;
	s7 =	simm.s32 @p2 $0x1082  }
0x22: {  	[simem:s7], [sflag:s8] =	dma.local @!p0 [hbm:s6], $0xF7A  }
0x23: {  	s9 =	sor.u32 $0xD0000000, s2;
	s6 =	simm.s32 $0x108;
	_ =	swait.ge @!p0 [sflag:s8], $0x0  }
0x24: {  	s3 =	sadd.s32 $0x88, s3;
	s6 =	simm.s32 @!p1 $0x1082;
	[sflag:s4] =	ssyncset.s32 $0xFFFFF086  }
0x25: {  	[simem:s6], [sflag:s4] =	dma.local [hbm:s3], $0xF7A  }
0x26: {  	[smem:$0x3F9F] =	sst s1;
	(tag) =	ssettag s2;
	_ =	strace s9  }
0x27: {  	s1 =	sld [smem:$0x3FAF]  }
0x28: {  	s2 =	sld [smem:$0x3FB0]  }
0x29: {  	s4 =	sld [smem:$0x3FB2]  }
0x2a: {  	p0 =	seq.s32 s5, $0x0;
	s5 =	sld [smem:$0x3FB3]  }
0x2b: {  	s6 =	sld [smem:$0x3FB4]  }
0x2c: {  	s7 =	sld [smem:$0x3FB5]  }
0x2d: {  	s3 =	simm.s32 $0x108;
	s8 =	sld [smem:$0x3FB6]  }
0x2e: {  	s3 =	simm.s32 @!p0 $0x1082;
	s9 =	sld [smem:$0x3FB7]  }
0x2f: {  	lr =	sadd.s32 s0, s3;
	s0 =	sld [smem:$0x3FAE]  }
0x30: {  	s3 =	sld [smem:$0x3FB1]  }
0x31: {  	[smem:$0x3FBA] =	sst s10  }
0x32: {  	s10 =	sld [smem:$0x3FB8];
	_ =	sdelay $0x3  }
0x33: {  	p0 =	seq.s32 s10, $0x1;
	s10 =	sld [smem:$0x3FBA];
	_ =	sdelay $0x3  }
0x34: {  	[smem:$0x3FBA] =	sst s10  }
0x35: {  	s10 =	sld [smem:$0x3FB9];
	_ =	sdelay $0x3  }
0x36: {  	p1 =	seq.s32 s10, $0x1;
	s10 =	sld [smem:$0x3FBA];
	_ =	sdelay $0x3  }
0x37: {  	[smem:$0x3FBA] =	sst s10  }
0x38: {  	s10 =	sld [smem:$0x3FBB]  }
0x39: {  	_ = 	snop;
	(pc) =	sbr.ind lr, $3  }
0x3a: {  	_ = 	snop  }
0x3b: {  	_ = 	snop  }
0x3c: {  	p2 =	seq.s32 s10, $0x1;
	s10 =	sld [smem:$0x3FBA]  }
0x3d: {  	_ =	shalt  }
0x3e: {  	_ =	shalt  }
0x3f: {  	_ =	shalt  }
0x40: {  	_ =	shalt  }
0x41: {  	_ =	shalt  }
0x42: {  	_ =	shalt  }
0x43: {  	_ =	shalt  }
0x44: {  	_ =	shalt  }
0x45: {  	_ =	shalt  }
0x46: {  	_ =	shalt  }
0x47: {  	_ =	shalt  }
0x48: {  	_ =	shalt  }
0x49: {  	_ =	shalt  }
0x4a: {  	_ =	shalt  }
0x4b: {  	_ =	shalt  }
0x4c: {  	_ =	shalt  }
0x4d: {  	_ =	shalt  }
0x4e: {  	_ =	shalt  }
0x4f: {  	_ =	shalt  }
0x50: {  	_ =	shalt  }
0x51: {  	_ =	shalt  }
0x52: {  	_ =	shalt  }
0x53: {  	_ =	shalt  }
0x54: {  	_ =	shalt  }
0x55: {  	_ =	shalt  }
0x56: {  	_ =	shalt  }
0x57: {  	_ =	shalt  }
0x58: {  	_ =	shalt  }
0x59: {  	_ =	shalt  }
0x5a: {  	_ =	shalt  }
0x5b: {  	_ =	shalt  }
0x5c: {  	_ =	shalt  }
0x5d: {  	_ =	shalt  }
0x5e: {  	_ =	shalt  }
0x5f: {  	_ =	shalt  }
0x60: {  	_ =	shalt  }
0x61: {  	_ =	shalt  }
0x62: {  	_ =	shalt  }
0x63: {  	_ =	shalt  }
0x64: {  	_ =	shalt  }
0x65: {  	_ =	shalt  }
0x66: {  	_ =	shalt  }
0x67: {  	_ =	shalt  }
0x68: {  	_ =	shalt  }
0x69: {  	_ =	shalt  }
0x6a: {  	_ =	shalt  }
0x6b: {  	_ =	shalt  }
0x6c: {  	_ =	shalt  }
0x6d: {  	_ =	shalt  }
0x6e: {  	_ =	shalt  }
0x6f: {  	_ =	shalt  }
0x70: {  	_ =	shalt  }
0x71: {  	_ =	shalt  }
0x72: {  	_ =	shalt  }
0x73: {  	_ =	shalt  }
0x74: {  	_ =	shalt  }
0x75: {  	_ =	shalt  }
0x76: {  	_ =	shalt  }
0x77: {  	_ =	shalt  }
0x78: {  	_ =	shalt  }
0x79: {  	_ =	shalt  }
0x7a: {  	_ =	shalt  }
0x7b: {  	_ =	shalt  }
0x7c: {  	_ =	shalt  }
0x7d: {  	_ =	shalt  }
0x7e: {  	_ =	shalt  }
0x7f: {  	_ =	shalt  }
0x80: {  	_ =	shalt  }
0x81: {  	_ =	shalt  }
0x82: {  	_ =	shalt  }
0x83: {  	_ =	shalt  }
0x84: {  	_ =	shalt  }
0x85: {  	_ =	shalt  }
0x86: {  	_ =	shalt  }
0x87: {  	_ =	shalt  }
.Lfunc_end0:
.L_simem_size_0:
called_computation_lowered:
.L_overlay_start_0:
0x88: {  	s2 =	sld [smem:$0x3FD9]  }
0x89: {  	s3 =	sld [smem:$0x3FFE];
	_ =	sdelay $0x1  }
0x8a: {  	s1 =	srdreg.scid  }
0x8b: {  	s0 =	sand.u32 $0x1, s1  }
0x8c: {  	s15 =	sshll.u32 s0, $0xA;
	s2 =	sadd.s32 s3, s2  }
0x8d: {  	s2 =	sadd.s32 s2, s15  }
0x8e: {  	[smem:$0x3FC6] =	sst s2  }
0x8f: {  	_ = 	snop  }
0x90: {  	s2 =	sld [smem:$0x3FD0];
	_ =	sdelay $0x1  }
0x91: {  	s16 =	sld [smem:$0x3FC9]  }
0x92: {  	s5 =	simm.s32 $0xA;
	s6 =	simm.s32 $0x10;
	s4 =	sld [smem:$0x3FC8]  }
0x93: {  	[smem:s6], [sflag:s5] =	dma.local [hbm:s2], $0x1  }
0x94: {  	_ =	swait.eq [sflag:s5], $0x1  }
0x95: {  	[sflag:s5] =	ssyncset.done $0x0  }
0x96: {  	[sflag:s5] =	ssyncadd.s32 $0xFFFFFFFF  }
0x97: {  	s17 =	sld [smem:$0x10];
	(tm) =	ssettm $0x1  }
0x98: {  	s18 =	sld [smem:$0x3FFB];
	_ =	sdelay $0x3  }
0x99: {  	_ =	strace s18  }
0x9a: {  	s5 =	sld [smem:$0x3FFC];
	_ =	sdelay $0x3  }
0x9b: {  	_ =	strace s5  }
0x9c: {  	s5 =	sld [smem:$0x3FFD];
	_ =	sdelay $0x3  }
0x9d: {  	_ =	strace s5  }
0x9e: {  	_ =	strace $0x8FFFFFFF  }
0x9f: {  	s19 =	sld [smem:$0x3FDB];
	_ =	sdelay $0x1  }
0xa0: {  	s20 =	simm.s32 $_scs_section_size  }
0xa1: {  	s7 =	simm.s32 $_size__tile_overlayer_lowered;
	s8 =	simm.s32 $_tile_overlayer_lowered  }
0xa2: {  	s23 =	simm.s32 $0x1BFF;
	s22 =	sshll.u32 s8, $0x1;
	s5 =	sadd.s32 s20, s19  }
0xa3: {  	s9 =	simm.s32 $0x0;
	s21 =	sshll.u32 s7, $0x1;
	s7 =	sadd.s32 s22, s5  }
0xa4: {  	[timem:s9], [sflag:s23] =	dma.local [hbm:s7], s21  }
0xa5: {  	_ =	swait.ge [sflag:s23], s21  }
0xa6: {  	s6 =	ssub.s32 $0x0, s21;
	[sflag:s23] =	ssyncset.done $0x0  }
0xa7: {  	[sflag:s23] =	ssyncadd.s32 s6;
	_ =	sdelay $0x1  }
0xa8: {  	s24 =	simm.s32 $0x1B8B  }
0xa9: {  	_ =	swait.ge [sflag:s24], $0x1  }
0xaa: {  	[sflag:s24] =	ssyncset.done $0x0  }
0xab: {  	s25 =	simm.s32 $0x1B8E;
	[sflag:s24] =	ssyncadd.s32 $0xFFFFFFFF  }
0xac: {  	s26 =	simm.s32 $execute0_lowered;
	[smem:$0x3FD2] =	sst s25  }
0xad: {  	s6 =	sshll.u32 s26, $0x1;
	_ =	strace $0x80000046;
	[dreg:$0x1] =	wrdreg $0xFFFFFFFF  }
0xae: {  	s28 =	simm.s32 $_size_execute0_lowered;
	s5 =	sadd.s32 s5, s6;
	[dreg:$0x0] =	wrdreg $0x0  }
0xaf: {  	s6 =	sshll.u32 s28, $0x1;
	[dreg:$0x2] =	wrdreg s5  }
0xb0: {  	[dreg:$0x3] =	wrdreg s6  }
0xb1: {  	[dreg:$0x4] =	wrdreg $0xC0  }
0xb2: {  	_ =	task [dreg:s9], $0x5FFFF  }
0xb3: {  	[dreg:$0x1] =	wrdreg $0xFFFFFFFF  }
0xb4: {  	[dreg:$0x0] =	wrdreg $0x60  }
0xb5: {  	[dreg:$0x2] =	wrdreg s16  }
0xb6: {  	[dreg:$0x3] =	wrdreg s4  }
0xb7: {  	[dreg:$0x4] =	wrdreg s17  }
0xb8: {  	[dreg:$0x5] =	wrdreg $0x9  }
0xb9: {  	_ =	task.clear_ibuf [dreg:s9], $0x6FFFF;
	_ =	strace $0x90000046  }
0xba: {  	s29 =	simm.s32 $0x9;
	_ =	strace $0x80000048  }
0xbb: {  	_ =	swait.ge [sflag:s29], $0x1  }
0xbc: {  	[sflag:s29] =	ssyncadd.s32 $0xFFFFFFFF  }
0xbd: {  	_ =	strace $0x90000048  }
0xbe: {  	_ =	sfence  }
0xbf: {  	s30 =	sld [smem:$0x0];
	_ =	sdelay $0x2  }
0xc0: {  	s31 =	sshll.u32 s1, $0xD;
	s1 =	sshrl.u32 s1, $0x2  }
0xc1: {  	s3 =	sand.u32 $0x4000, s31;
	s1 =	sadd.s32 s1, s30  }
0xc2: {  	s0 =	sor.u32 s3, s0;
	s1 =	sshll.u32 s1, $0x11  }
0xc3: {  	s0 =	sor.u32 s1, s0  }
0xc4: {  	s0 =	sadd.s32 $0x8F2B, s0  }
0xc5: {  	[sflag:s0] =	ssyncadd.remote.s32 $0x1  }
0xc6: {  	_ =	sfence.sel $0xFFFF  }
0xc7: {  	[dreg:$0x0] =	wrdreg $0xFFFFFFFF;
	(pc) =	sbr.abs _section_cstart, $3  }
0xc8: {  	[dreg:$0x1] =	wrdreg $0xFFFFFFFF  }
0xc9: {  	_ =	task.clear_ibuf [dreg:s9], $0x2FFFF;
	_ =	strace $0x9FFFFFFF  }
0xca: {  	(tm) =	ssettm $0x7FFFFFFF  }
0xcb: {  	_ =	shalt  }
tec
execute0_lowered:
.L_overlay_start_1:
0x0: {  	(tag) =	ssettag $0x1  }
0x1: {  	s28 =	rddreg [dreg:$0x0]  }
0x2: {  	s4 =	rddreg [dreg:$0x2];
	s0 =	srdreg.scid  }
0x3: {  	s5 =	simm.s32 $0x0;
	s2 =	stileid.u32;
	s0 =	sand.u32 $0x1, s0  }
0x4: {  	s2 =	sshll.u32 s2, $0x9;
	[smem:$0x7FF] =	sst s5;
	s29 =	sadd.s32 $0x800, s28  }
0x5: {  	s30 =	sadd.s32 $0x800, s4;
	s1 =	ssub.s32 $0x2, s0;
	s0 =	sshll.u32 s0, $0x8  }
0x6: {  	_ =	strace $0x80000047;
	[dreg:$0x6] =	wrdreg s29;
	s0 =	sor.u32 s0, s2  }
0x7: {  	[dreg:$0x9] =	wrdreg s30;
	s2 =	sshll.u32 s0, $0x9  }
0x8: {  	s0 =	sshrl.u32 s0, $0x3;
	[dreg:$0x4] =	wrdreg s2  }
0x9: {  	s26 =	sadd.s32 s28, s2;
	[dreg:$0x7] =	wrdreg s0  }
0xa: {  	s3 =	sshrl.u32 s1, $0x1;
	s2 =	sadd.s32 s2, s29;
	[dreg:$0x5] =	wrdreg s26  }
0xb: {  	s1 =	ssub.s32 s1, s3;
	s0 =	sor.u32 $0x2, s0;
	[dreg:$0x8] =	wrdreg s2  }
0xc: {  	s15 =	simm.s32 $0x1000;
	s31 =	smax.u32 s1, $0x1;
	[dreg:$0xa] =	wrdreg s0  }
0xd: {  	s19 =	simm.s32 $0x9000;
	[dreg:$0xb] =	wrdreg s31;
	s2 =	simm.s32 $0x0  }
.LBB2_1:
0xe: {  	[dreg:$0xc] =	wrdreg s2  }
0xf: {  	s0 =	rddreg [dreg:$0x1];
	s26 =	simm.s32 $0x7  }
0x10: {  	[tilespmem:s5], [sflag:$0x7] =	stream.linear.gather [hbm4b:s0+s5], $0x1000, $0x38;
	[tilespmem:$0x19000] =	vst v63  }
0x11: {  	_ =	swait.ge [sflag:s26], $0x1000  }
0x12: {  	[sflag:s26] =	ssyncset.done $0x0  }
0x13: {  	s30 =	rddreg [dreg:$0x5];
	[sflag:s26] =	ssyncadd.s32 $0xFFFFF000  }
0x14: {  	[tilespmem:s15], [sflag:$0x1] =	stream.linear.gather [hbm4b:s30+s5], $0x4000, $0x38;
	[tilespmem:$0x19000] =	vst v63  }
0x15: {  	s1 =	simm.s32 $0x5000;
	s29 =	simm.s32 $0x0;
	s31 =	rddreg [dreg:$0x8]  }
0x16: {  	[tilespmem:s1], [sflag:$0x3] =	stream.linear.gather [hbm4b:s31+s5], $0x4000, $0x38;
	[tilespmem:$0x19000] =	vst v63  }
.LBB2_2:
0x17: {  	s1 =	simm.s32 $0x1  }
0x18: {  	_ =	swait.ge [sflag:s1], $0x4000  }
0x19: {  	s0 =	sshll.u32 s29, $0x1;
	[sflag:s1] =	ssyncset.done $0x0;
	s13 =	rddreg [dreg:$0x7]  }
0x1a: {  	s2 =	simm.s32 $0x3;
	[sflag:s1] =	ssyncadd.s32 $0xFFFFC000;
	s1 =	sor.u32 s0, s13  }
0x1b: {  	_ =	swait.ge [sflag:s2], $0x4000;
	s1 =	sshll.u32 s1, $0xC  }
0x1c: {  	[sflag:s2] =	ssyncset.done $0x0;
	s31 =	sor.u32 $0x1000, s1  }
0x1d: {  	s30 =	sor.u32 $0x1800, s1;
	[sflag:s2] =	ssyncadd.s32 $0xFFFFC000;
	s14 =	sadd.s32 s28, s31  }
0x1e: {  	[tilespmem:s19], [sflag:$0x2] =	stream.linear.gather [hbm4b:s14+s5], $0x4000, $0x38;
	[tilespmem:$0x19000] =	vst v63  }
0x1f: {  	s16 =	simm.s32 $0xD000;
	p0 =	seq.s32 s29, $0x0;
	s1 =	sadd.s32 s28, s30  }
0x20: {  	[tilespmem:s16], [sflag:$0x4] =	stream.linear.gather [hbm4b:s1+s5], $0x4000, $0x38;
	[tilespmem:$0x19000] =	vst v63  }
0x21: {  	s17 =	simm.s32 $0x0;
	s1 =	simm.s32 @!p0 $0x5  }
0x22: {  	s3 =	sand.u32 $0x40, s17;
	_ =	swait.ge @!p0 [sflag:s1], $0x4000  }
0x23: {  	s4 =	sand.u32 $0x780, s17;
	s6 =	sor.u32 $0x30, s3;
	[sflag:s1] =	ssyncset.done @!p0 $0x0  }
0x24: {  	s18 =	sor.u32 s6, s4;
	[sflag:s1] =	ssyncadd.s32 @!p0 $0xFFFFC000  }
0x25: {  	v0 =	vld [tilespmem:s18+$0x0]  }
0x26: {  	s7 =	sor.u32 $0x10, s3;
	v1 =	vld [tilespmem:s17+$0x0]  }
0x27: {  	s8 =	sor.u32 $0x20, s3;
	s20 =	sor.u32 s7, s4  }
0x28: {  	s4 =	sor.u32 s8, s4;
	v2 =	vld [tilespmem:s20+$0x0]  }
0x29: {  	v3 =	vld [tilespmem:s4+$0x0]  }
0x2a: {  	v4 =	vshll.u32 v0, $0x3  }
0x2b: {  	v5 =	vshll.u32 v1, $0x3;
	v0 =	vand.u32 $0x7F, v0;
	v4 =	vand.u32 $0xFFFFFC00, v4  }
0x2c: {  	v1 =	vand.u32 $0x7F, v1;
	v6 =	vand.u32 $0xFFFFFC00, v5;
	v5 =	vor.u32 v0, v4  }
0x2d: {  	v0 =	vor.u32 v1, v6;
	v1 =	vshll.u32 v2, $0x3  }
0x2e: {  	v4 =	vshll.u32 v3, $0x3;
	v2 =	vand.u32 $0x7F, v2;
	v1 =	vand.u32 $0xFFFFFC00, v1  }
0x2f: {  	v6 =	vand.u32 $0xFFFFFC00, v4;
	v4 =	vor.u32 v2, v1;
	v1 =	vand.u32 $0x7F, v3  }
0x30: {  	v3 =	vor.u32 v1, v6  }
0x31: {  	v1 =	vld.idx.msk [tilespmem:v5+s15+$0x0], $0xffff  }
0x32: {  	v6 =	vor.u32 $0x80, v5;
	v2 =	vld.idx.msk [tilespmem:v0+s15+$0x0], $0xffff  }
0x33: {  	s21 =	sand.u32 $0x3C00, s17;
	v7 =	vor.u32 $0x80, v0  }
0x34: {  	s2 =	sadd.s32 $0x11000, s21;
	v8 =	vld.idx.msk [tilespmem:v4+s15+$0x0], $0xffff  }
0x35: {  	s22 =	sor.u32 s6, s2;
	v9 =	vor.u32 $0x80, v4;
	v10 =	vld.idx.msk [tilespmem:v3+s15+$0x0], $0xffff  }
0x36: {  	s1 =	sor.u32 s3, s2;
	v11 =	vor.u32 $0x80, v3;
	[tilespmem:s22+$0x0] =	vst v1  }
0x37: {  	[tilespmem:s1+$0x0] =	vst v2;
	v1 =	vld.idx.msk [tilespmem:v6+s15+$0x0], $0xffff  }
0x38: {  	s7 =	sor.u32 s7, s2;
	v2 =	vld.idx.msk [tilespmem:v7+s15+$0x0], $0xffff;
	v6 =	vor.u32 $0x100, v5  }
0x39: {  	s2 =	sor.u32 s8, s2;
	v7 =	vor.u32 $0x100, v0;
	[tilespmem:s7+$0x0] =	vst v8  }
0x3a: {  	v8 =	vld.idx.msk [tilespmem:v9+s15+$0x0], $0xffff;
	[tilespmem:s2+$0x0] =	vst v10  }
0x3b: {  	v9 =	vor.u32 $0x100, v4;
	v10 =	vld.idx.msk [tilespmem:v11+s15+$0x0], $0xffff  }
0x3c: {  	v11 =	vor.u32 $0x100, v3;
	[tilespmem:s22+$0x80] =	vst v1  }
0x3d: {  	[tilespmem:s1+$0x80] =	vst v2;
	v1 =	vld.idx.msk [tilespmem:v6+s15+$0x0], $0xffff  }
0x3e: {  	v2 =	vld.idx.msk [tilespmem:v7+s15+$0x0], $0xffff;
	v6 =	vor.u32 $0x180, v5  }
0x3f: {  	v7 =	vor.u32 $0x180, v0;
	[tilespmem:s7+$0x80] =	vst v8  }
0x40: {  	v8 =	vld.idx.msk [tilespmem:v9+s15+$0x0], $0xffff;
	[tilespmem:s2+$0x80] =	vst v10  }
0x41: {  	s3 =	simm.s32 $0x40;
	v9 =	vor.u32 $0x180, v4;
	v10 =	vld.idx.msk [tilespmem:v11+s15+$0x0], $0xffff  }
0x42: {  	s23 =	sand.u32 $0x40, s3;
	v11 =	vld [tilespmem:s3+$0x0];
	[tilespmem:s22+$0x100] =	vst v1  }
0x43: {  	s11 =	sand.u32 $0x780, s3;
	s9 =	sor.u32 $0x30, s23;
	[tilespmem:s1+$0x100] =	vst v2;
	v1 =	vld.idx.msk [tilespmem:v6+s15+$0x0], $0xffff  }
0x44: {  	s10 =	sor.u32 s9, s11;
	v2 =	vor.u32 $0x180, v3;
	v6 =	vld.idx.msk [tilespmem:v7+s15+$0x0], $0xffff  }
0x45: {  	s24 =	sor.u32 $0x10, s23;
	v7 =	vor.u32 $0x200, v5;
	[tilespmem:s7+$0x100] =	vst v8;
	v8 =	vld [tilespmem:s10+$0x0]  }
0x46: {  	s25 =	sor.u32 $0x20, s23;
	s12 =	sor.u32 s24, s11;
	v9 =	vld.idx.msk [tilespmem:v9+s15+$0x0], $0xffff  }
0x47: {  	s11 =	sor.u32 s25, s11;
	v13 =	vld [tilespmem:s12+$0x0];
	v12 =	vor.u32 $0x200, v4;
	v14 =	vshll.u32 v11, $0x3  }
0x48: {  	v15 =	vld [tilespmem:s11+$0x0];
	[tilespmem:s2+$0x100] =	vst v10;
	v10 =	vor.u32 $0x200, v0;
	v11 =	vand.u32 $0x7F, v11;
	v14 =	vand.u32 $0xFFFFFC00, v14  }
0x49: {  	p1 =	por $0x0, $0x0;
	s4 =	simm.s32 $0x1;
	v16 =	vld.idx.msk [tilespmem:v2+s15+$0x0], $0xffff;
	[tilespmem:s22+$0x180] =	vst v1;
	v1 =	vor.u32 v11, v14  }
0x4a: {  	s4 =	simm.s32 @!p1 $0x0;
	v11 =	vor.u32 $0x200, v3;
	v7 =	vld.idx.msk [tilespmem:v7+s15+$0x0], $0xffff;
	v2 =	vshll.u32 v8, $0x3  }
0x4b: {  	s4 =	sshll.u32 s4, $0x6;
	v8 =	vand.u32 $0x7F, v8;
	[tilespmem:s7+$0x180] =	vst v9;
	v2 =	vand.u32 $0xFFFFFC00, v2;
	v9 =	vor.u32 $0x280, v5  }
0x4c: {  	v14 =	vor.u32 $0x280, v4;
	[tilespmem:s1+$0x180] =	vst v6;
	s1 =	sadd.s32 $0x0, s4;
	v6 =	vld.idx.msk [tilespmem:v12+s15+$0x0], $0xffff;
	v12 =	vshll.u32 v13, $0x3;
	v2 =	vor.u32 v8, v2  }
0x4d: {  	s4 =	sadd.s32 $0x30, s1;
	v8 =	vld.idx.msk [tilespmem:v10+s15+$0x0], $0xffff;
	v10 =	vshll.u32 v15, $0x3;
	v13 =	vand.u32 $0x7F, v13;
	v12 =	vand.u32 $0xFFFFFC00, v12  }
0x4e: {  	s14 =	sor.u32 $0x200, s4;
	v10 =	vand.u32 $0xFFFFFC00, v10;
	[tilespmem:s2+$0x180] =	vst v16;
	v17 =	vld.idx.msk [tilespmem:v1+s15+$0x0], $0xffff;
	v21 =	vor.u32 v13, v12;
	v12 =	vand.u32 $0x7F, v15  }
0x4f: {  	s7 =	sadd.s32 $0x10, s1;
	v11 =	vld.idx.msk [tilespmem:v11+s15+$0x0], $0xffff;
	v10 =	vor.u32 v12, v10;
	[tilespmem:s14+$0x11000] =	vst v7  }
0x50: {  	s16 =	sor.u32 $0x200, s7;
	v7 =	vor.u32 $0x280, v0;
	v9 =	vld.idx.msk [tilespmem:v9+s15+$0x0], $0xffff  }
0x51: {  	v12 =	vor.u32 $0x280, v3;
	v13 =	vld.idx.msk [tilespmem:v2+s15+$0x0], $0xffff;
	[tilespmem:s16+$0x11000] =	vst v6  }
0x52: {  	s12 =	sadd.s32 $0x20, s1;
	s17 =	sor.u32 $0x200, s1;
	s2 =	simm.s32 $0x200;
	v6 =	vld.idx.msk [tilespmem:v14+s15+$0x0], $0xffff;
	v14 =	vor.u32 $0x300, v5  }
0x53: {  	s13 =	sor.u32 $0x200, s12;
	v16 =	vor.u32 $0x80, v2;
	s18 =	sand.u32 $0x3C00, s2;
	[tilespmem:s17+$0x11000] =	vst v8;
	v15 =	vld.idx.msk [tilespmem:v21+s15+$0x0], $0xffff  }
0x54: {  	s20 =	sor.u32 $0x280, s4;
	s14 =	sadd.s32 $0x11000, s18;
	v8 =	vor.u32 $0x80, v1;
	[tilespmem:s13+$0x11000] =	vst v11;
	v18 =	vld.idx.msk [tilespmem:v10+s15+$0x0], $0xffff  }
0x55: {  	v19 =	vor.u32 $0x80, v21;
	s9 =	sor.u32 s9, s14;
	v7 =	vld.idx.msk [tilespmem:v7+s15+$0x0], $0xffff;
	[tilespmem:s20+$0x11000] =	vst v9  }
0x56: {  	v11 =	vor.u32 $0x80, v10;
	v12 =	vld.idx.msk [tilespmem:v12+s15+$0x0], $0xffff;
	s20 =	sor.u32 s23, s14;
	[tilespmem:s9+$0x0] =	vst v13  }
0x57: {  	s21 =	sor.u32 $0x280, s7;
	v9 =	vor.u32 $0x300, v4;
	[tilespmem:s20+$0x0] =	vst v17;
	v13 =	vld.idx.msk [tilespmem:v14+s15+$0x0], $0xffff  }
0x58: {  	s11 =	sor.u32 s24, s14;
	v14 =	vor.u32 $0x300, v3;
	v16 =	vld.idx.msk [tilespmem:v16+s15+$0x0], $0xffff;
	[tilespmem:s21+$0x11000] =	vst v6  }
0x59: {  	s6 =	sor.u32 s25, s14;
	v5 =	vor.u32 $0x380, v5;
	v8 =	vld.idx.msk [tilespmem:v8+s15+$0x0], $0xffff;
	[tilespmem:s11+$0x0] =	vst v15  }
0x5a: {  	s22 =	sor.u32 $0x280, s12;
	v17 =	vor.u32 $0x100, v2;
	v15 =	vld.idx.msk [tilespmem:v19+s15+$0x0], $0xffff;
	[tilespmem:s6+$0x0] =	vst v18  }
0x5b: {  	s23 =	sor.u32 $0x300, s4;
	v18 =	vor.u32 $0x100, v1;
	[tilespmem:s22+$0x11000] =	vst v12;
	v20 =	vld.idx.msk [tilespmem:v11+s15+$0x0], $0xffff  }
0x5c: {  	v6 =	vor.u32 $0x100, v21;
	v22 =	vld.idx.msk [tilespmem:v9+s15+$0x0], $0xffff;
	[tilespmem:s23+$0x11000] =	vst v13  }
0x5d: {  	v23 =	vor.u32 $0x100, v10;
	v14 =	vld.idx.msk [tilespmem:v14+s15+$0x0], $0xffff;
	[tilespmem:s9+$0x80] =	vst v16  }
0x5e: {  	v16 =	vor.u32 $0x300, v0;
	[tilespmem:s20+$0x80] =	vst v8;
	v24 =	vld.idx.msk [tilespmem:v5+s15+$0x0], $0xffff  }
0x5f: {  	v25 =	vor.u32 $0x380, v4;
	v19 =	vld.idx.msk [tilespmem:v17+s15+$0x0], $0xffff;
	[tilespmem:s11+$0x80] =	vst v15  }
0x60: {  	s25 =	sor.u32 $0x300, s7;
	v4 =	vor.u32 $0x380, v21;
	v17 =	vld.idx.msk [tilespmem:v18+s15+$0x0], $0xffff;
	[tilespmem:s6+$0x80] =	vst v20  }
0x61: {  	s24 =	sor.u32 $0x280, s1;
	v11 =	vor.u32 $0x200, v21;
	v13 =	vor.u32 $0x180, v21;
	v18 =	vld.idx.msk [tilespmem:v6+s15+$0x0], $0xffff;
	[tilespmem:s25+$0x11000] =	vst v22;
	v22 =	vor.u32 $0x180, v2  }
0x62: {  	s26 =	smov.u32 s28;
	s8 =	simm.s32 $0x80;
	s28 =	sor.u32 $0x300, s12;
	[tilespmem:s24+$0x11000] =	vst v7;
	v8 =	vor.u32 $0x280, v21;
	v6 =	vor.u32 $0x300, v21;
	v21 =	vor.u32 $0x180, v1;
	v20 =	vld.idx.msk [tilespmem:v23+s15+$0x0], $0xffff  }
0x63: {  	s10 =	sor.u32 $0x380, s12;
	s16 =	sor.u32 $0x300, s1;
	s4 =	sor.u32 $0x380, s4;
	v3 =	vor.u32 $0x380, v3;
	v12 =	vor.u32 $0x180, v10;
	v7 =	vor.u32 $0x280, v10;
	v15 =	vld.idx.msk [tilespmem:v16+s15+$0x0], $0xffff  }
0x64: {  	s13 =	simm.s32 $0x4;
	s14 =	sor.u32 $0x380, s7;
	s7 =	sor.u32 $0x380, s1;
	v9 =	vor.u32 $0x200, v10;
	v5 =	vor.u32 $0x300, v10;
	v10 =	vor.u32 $0x380, v10;
	v16 =	vld.idx.msk [tilespmem:v25+s15+$0x0], $0xffff;
	[tilespmem:s4+$0x11000] =	vst v24  }
.LBB2_3:
0x65: {  	v23 =	vld [tilespmem:s8+$0x0];
	[tilespmem:s9+$0x100] =	vst v19;
	s3 =	sadd.s32 $0x40, s3  }
0x66: {  	s13 =	sadd.s32 $0x4, s13;
	s12 =	sand.u32 $0x40, s3;
	[tilespmem:s20+$0x100] =	vst v17;
	v17 =	vld.idx.msk [tilespmem:v22+s15+$0x0], $0xffff  }
0x67: {  	s4 =	sand.u32 $0x780, s3;
	p2 =	slt.u32 s13, $0x7C;
	s21 =	sor.u32 $0x30, s12;
	v19 =	vld.idx.msk [tilespmem:v21+s15+$0x0], $0xffff;
	[tilespmem:s11+$0x100] =	vst v18  }
0x68: {  	s1 =	sor.u32 $0x10, s12;
	s22 =	sor.u32 $0x20, s12;
	v18 =	vor.u32 $0x200, v2;
	s17 =	sor.u32 s21, s4;
	v13 =	vld.idx.msk [tilespmem:v13+s15+$0x0], $0xffff;
	[tilespmem:s6+$0x100] =	vst v20  }
0x69: {  	v21 =	vor.u32 $0x200, v1;
	s18 =	sor.u32 s1, s4;
	s4 =	sor.u32 s22, s4;
	v20 =	vld [tilespmem:s17+$0x0];
	[tilespmem:s28+$0x11000] =	vst v14  }
0x6a: {  	v14 =	vld [tilespmem:s18+$0x0];
	[tilespmem:s16+$0x11000] =	vst v15  }
0x6b: {  	v15 =	vshll.u32 v23, $0x3;
	v22 =	vld [tilespmem:s4+$0x0];
	[tilespmem:s14+$0x11000] =	vst v16  }
0x6c: {  	v16 =	vand.u32 $0x7F, v23;
	v15 =	vand.u32 $0xFFFFFC00, v15;
	v12 =	vld.idx.msk [tilespmem:v12+s15+$0x0], $0xffff;
	[tilespmem:s9+$0x180] =	vst v17;
	v17 =	vor.u32 $0x380, v0;
	v0 =	vmovc v1  }
0x6d: {  	p1 =	por !p1, !p1;
	s4 =	simm.s32 $0x1;
	v1 =	vor.u32 v16, v15;
	[tilespmem:s20+$0x180] =	vst v19;
	v15 =	vld.idx.msk [tilespmem:v18+s15+$0x0], $0xffff  }
0x6e: {  	s4 =	simm.s32 @!p1 $0x0;
	v16 =	vshll.u32 v20, $0x3;
	v18 =	vld.idx.msk [tilespmem:v21+s15+$0x0], $0xffff;
	[tilespmem:s11+$0x180] =	vst v13  }
0x6f: {  	s4 =	sshll.u32 s4, $0x6;
	v13 =	vand.u32 $0x7F, v20;
	v16 =	vand.u32 $0xFFFFFC00, v16;
	v19 =	vld.idx.msk [tilespmem:v11+s15+$0x0], $0xffff;
	v11 =	vor.u32 $0x280, v2  }
0x70: {  	s9 =	sadd.s32 s4, s2;
	v20 =	vshll.u32 v14, $0x3;
	v21 =	vshll.u32 v22, $0x3;
	v16 =	vor.u32 v13, v16;
	v23 =	vld.idx.msk [tilespmem:v3+s15+$0x0], $0xffff;
	v3 =	vmovc v10  }
0x71: {  	s11 =	sadd.s32 $0x10, s9;
	s20 =	sadd.s32 $0x20, s9;
	s4 =	sadd.s32 $0x30, s9;
	v10 =	vand.u32 $0x7F, v14;
	v13 =	vand.u32 $0xFFFFFC00, v20;
	v14 =	vand.u32 $0xFFFFFC00, v21;
	v17 =	vld.idx.msk [tilespmem:v17+s15+$0x0], $0xffff  }
0x72: {  	s14 =	sor.u32 $0x200, s11;
	s16 =	sor.u32 $0x200, s4;
	v10 =	vor.u32 v10, v13;
	v13 =	vand.u32 $0x7F, v22;
	v21 =	vor.u32 $0x280, v0;
	v20 =	vld.idx.msk [tilespmem:v1+s15+$0x0], $0xffff;
	[tilespmem:s6+$0x180] =	vst v12;
	s6 =	sor.u32 $0x200, s20  }
0x73: {  	s17 =	sor.u32 $0x200, s9;
	s24 =	sor.u32 $0x280, s11;
	s23 =	sor.u32 $0x280, s20;
	v22 =	vor.u32 $0x80, v10;
	v24 =	vor.u32 $0x100, v10;
	v14 =	vor.u32 v13, v14;
	v25 =	vld.idx.msk [tilespmem:v9+s15+$0x0], $0xffff;
	[tilespmem:s16+$0x11000] =	vst v15  }
0x74: {  	s18 =	sor.u32 $0x280, s9;
	s28 =	sor.u32 $0x300, s20;
	v13 =	vor.u32 $0x180, v10;
	v15 =	vor.u32 $0x80, v14;
	v26 =	vor.u32 $0x100, v14;
	[tilespmem:s17+$0x11000] =	vst v18;
	s17 =	sor.u32 $0x300, s11;
	v18 =	vld.idx.msk [tilespmem:v11+s15+$0x0], $0xffff  }
0x75: {  	v12 =	vor.u32 $0x180, v14;
	v9 =	vor.u32 $0x200, v14;
	s16 =	sor.u32 $0x300, s9;
	v11 =	vor.u32 $0x200, v10;
	v27 =	vld.idx.msk [tilespmem:v16+s15+$0x0], $0xffff;
	[tilespmem:s14+$0x11000] =	vst v19;
	s14 =	sor.u32 $0x380, s11;
	s11 =	sor.u32 $0x380, s20  }
0x76: {  	v29 =	vor.u32 $0x300, v2;
	s9 =	sor.u32 $0x380, s9;
	v19 =	vor.u32 $0x280, v14;
	v28 =	vld.idx.msk [tilespmem:v8+s15+$0x0], $0xffff;
	v8 =	vor.u32 $0x280, v10;
	[tilespmem:s10+$0x11000] =	vst v23;
	s10 =	smov.u32 s11  }
0x77: {  	s2 =	sadd.s32 $0x200, s2;
	v32 =	vor.u32 $0x80, v16;
	v30 =	vor.u32 $0x300, v10;
	v31 =	vor.u32 $0x300, v14;
	v23 =	vld.idx.msk [tilespmem:v10+s15+$0x0], $0xffff;
	[tilespmem:s7+$0x11000] =	vst v17;
	s7 =	smov.u32 s9  }
0x78: {  	v33 =	vor.u32 $0x380, v10;
	s9 =	sand.u32 $0x3C00, s2;
	v17 =	vor.u32 $0x80, v1;
	v10 =	vor.u32 $0x380, v14;
	v34 =	vld.idx.msk [tilespmem:v14+s15+$0x0], $0xffff  }
0x79: {  	s25 =	sadd.s32 $0x11000, s9;
	v35 =	vld.idx.msk [tilespmem:v21+s15+$0x0], $0xffff;
	[tilespmem:s6+$0x11000] =	vst v25;
	s6 =	sor.u32 $0x280, s4  }
0x7a: {  	s20 =	sor.u32 s12, s25;
	s11 =	sor.u32 s1, s25;
	s9 =	sor.u32 s21, s25;
	v14 =	vld.idx.msk [tilespmem:v7+s15+$0x0], $0xffff;
	[tilespmem:s6+$0x11000] =	vst v18;
	v7 =	vmov v19  }
0x7b: {  	s6 =	sor.u32 s22, s25;
	[tilespmem:s9+$0x0] =	vst v27;
	v18 =	vld.idx.msk [tilespmem:v29+s15+$0x0], $0xffff  }
0x7c: {  	[tilespmem:s20+$0x0] =	vst v20;
	v19 =	vld.idx.msk [tilespmem:v32+s15+$0x0], $0xffff  }
0x7d: {  	v20 =	vor.u32 $0x380, v2;
	v2 =	vmov v16;
	v17 =	vld.idx.msk [tilespmem:v17+s15+$0x0], $0xffff;
	[tilespmem:s11+$0x0] =	vst v23  }
0x7e: {  	v21 =	vor.u32 $0x100, v2;
	v16 =	vld.idx.msk [tilespmem:v22+s15+$0x0], $0xffff;
	[tilespmem:s6+$0x0] =	vst v34  }
0x7f: {  	v22 =	vor.u32 $0x100, v1;
	v15 =	vld.idx.msk [tilespmem:v15+s15+$0x0], $0xffff;
	[tilespmem:s24+$0x11000] =	vst v28  }
0x80: {  	s1 =	sor.u32 $0x300, s4;
	v23 =	vld.idx.msk [tilespmem:v6+s15+$0x0], $0xffff;
	[tilespmem:s23+$0x11000] =	vst v14;
	v6 =	vmov v30  }
0x81: {  	v14 =	vld.idx.msk [tilespmem:v5+s15+$0x0], $0xffff;
	[tilespmem:s1+$0x11000] =	vst v18;
	v5 =	vmov v31  }
0x82: {  	v25 =	vor.u32 $0x300, v0;
	[tilespmem:s9+$0x80] =	vst v19;
	v27 =	vld.idx.msk [tilespmem:v20+s15+$0x0], $0xffff  }
0x83: {  	[tilespmem:s20+$0x80] =	vst v17;
	v19 =	vld.idx.msk [tilespmem:v21+s15+$0x0], $0xffff  }
.Ltmp0:
0x84: {  	v17 =	vld.idx.msk [tilespmem:v22+s15+$0x0], $0xffff;
	[tilespmem:s11+$0x80] =	vst v16;
	(pc) =	sbr.rel @p2 .LBB2_3-.Ltmp0, $4  }
0x85: {  	v22 =	vor.u32 $0x180, v2;
	v18 =	vld.idx.msk [tilespmem:v24+s15+$0x0], $0xffff;
	[tilespmem:s6+$0x80] =	vst v15  }
0x86: {  	v21 =	vor.u32 $0x180, v1;
	v20 =	vld.idx.msk [tilespmem:v26+s15+$0x0], $0xffff;
	[tilespmem:s18+$0x11000] =	vst v35  }
0x87: {  	s1 =	sor.u32 $0x380, s4;
	v15 =	vld.idx.msk [tilespmem:v25+s15+$0x0], $0xffff;
	[tilespmem:s17+$0x11000] =	vst v23  }
0x88: {  	s8 =	sadd.s32 $0x40, s8;
	v16 =	vld.idx.msk [tilespmem:v4+s15+$0x0], $0xffff;
	[tilespmem:s1+$0x11000] =	vst v27;
	v4 =	vmov v33  }
0x89: {  	_ =	sdelay $0x2  }
0x8a: {  	[tilespmem:s9+$0x100] =	vst v19  }
0x8b: {  	v19 =	vld.idx.msk [tilespmem:v22+s15+$0x0], $0xffff;
	[tilespmem:s11+$0x100] =	vst v18  }
0x8c: {  	v18 =	vor.u32 $0x200, v2;
	v13 =	vld.idx.msk [tilespmem:v13+s15+$0x0], $0xffff;
	[tilespmem:s6+$0x100] =	vst v20  }
0x8d: {  	v12 =	vld.idx.msk [tilespmem:v12+s15+$0x0], $0xffff;
	_ =	sdelay $0x1  }
0x8e: {  	[tilespmem:s20+$0x100] =	vst v17  }
0x8f: {  	p1 =	por !p1, !p1;
	s1 =	simm.s32 $0x1;
	v17 =	vld.idx.msk [tilespmem:v21+s15+$0x0], $0xffff;
	[tilespmem:s9+$0x180] =	vst v19  }
0x90: {  	v61 =	vor.u32 $0x200, v1;
	s1 =	simm.s32 @!p1 $0x0;
	v18 =	vld.idx.msk [tilespmem:v18+s15+$0x0], $0xffff;
	[tilespmem:s11+$0x180] =	vst v13  }
0x91: {  	s1 =	sshll.u32 s1, $0x6;
	v13 =	vor.u32 $0x280, v2;
	v11 =	vld.idx.msk [tilespmem:v11+s15+$0x0], $0xffff;
	[tilespmem:s6+$0x180] =	vst v12  }
0x92: {  	s1 =	sadd.s32 s1, s2;
	v9 =	vld.idx.msk [tilespmem:v9+s15+$0x0], $0xffff  }
0x93: {  	s2 =	sadd.s32 $0x30, s1  }
0x94: {  	s3 =	sadd.s32 $0x10, s1;
	s4 =	sor.u32 $0x200, s2;
	[tilespmem:s20+$0x180] =	vst v17  }
0x95: {  	s8 =	sor.u32 $0x200, s3;
	s9 =	sadd.s32 $0x20, s1;
	v12 =	vld.idx.msk [tilespmem:v61+s15+$0x0], $0xffff;
	[tilespmem:s4+$0x11000] =	vst v18  }
0x96: {  	v17 =	vor.u32 $0x280, v1;
	s11 =	sor.u32 $0x200, s9;
	v13 =	vld.idx.msk [tilespmem:v13+s15+$0x0], $0xffff;
	[tilespmem:s8+$0x11000] =	vst v11  }
0x97: {  	v11 =	vor.u32 $0x300, v2;
	v8 =	vld.idx.msk [tilespmem:v8+s15+$0x0], $0xffff;
	[tilespmem:s11+$0x11000] =	vst v9  }
0x98: {  	v7 =	vld.idx.msk [tilespmem:v7+s15+$0x0], $0xffff  }
0x99: {  	[tilespmem:s28+$0x11000] =	vst v14;
	s12 =	sor.u32 $0x200, s1  }
0x9a: {  	s13 =	sor.u32 $0x280, s2;
	[tilespmem:s12+$0x11000] =	vst v12  }
0x9b: {  	v0 =	vor.u32 $0x380, v0;
	s17 =	sor.u32 $0x280, s3;
	v9 =	vld.idx.msk [tilespmem:v17+s15+$0x0], $0xffff;
	[tilespmem:s13+$0x11000] =	vst v13  }
0x9c: {  	s18 =	sor.u32 $0x280, s9;
	v12 =	vor.u32 $0x300, v1;
	v11 =	vld.idx.msk [tilespmem:v11+s15+$0x0], $0xffff;
	[tilespmem:s17+$0x11000] =	vst v8  }
0x9d: {  	v2 =	vor.u32 $0x380, v2;
	v6 =	vld.idx.msk [tilespmem:v6+s15+$0x0], $0xffff;
	[tilespmem:s18+$0x11000] =	vst v7  }
0x9e: {  	[tilespmem:s16+$0x11000] =	vst v15;
	v5 =	vld.idx.msk [tilespmem:v5+s15+$0x0], $0xffff  }
0x9f: {  	v3 =	vld.idx.msk [tilespmem:v3+s15+$0x0], $0xffff;
	[tilespmem:s14+$0x11000] =	vst v16;
	s20 =	sor.u32 $0x280, s1  }
0xa0: {  	s21 =	sor.u32 $0x300, s2;
	v0 =	vld.idx.msk [tilespmem:v0+s15+$0x0], $0xffff;
	[tilespmem:s20+$0x11000] =	vst v9  }
0xa1: {  	s22 =	sor.u32 $0x300, s3;
	v7 =	vld.idx.msk [tilespmem:v12+s15+$0x0], $0xffff;
	[tilespmem:s21+$0x11000] =	vst v11  }
0xa2: {  	s23 =	sor.u32 $0x300, s9;
	v1 =	vor.u32 $0x380, v1;
	v2 =	vld.idx.msk [tilespmem:v2+s15+$0x0], $0xffff;
	[tilespmem:s22+$0x11000] =	vst v6  }
0xa3: {  	v4 =	vld.idx.msk [tilespmem:v4+s15+$0x0], $0xffff;
	[tilespmem:s23+$0x11000] =	vst v5  }
0xa4: {  	[tilespmem:s10+$0x11000] =	vst v3;
	v5 =	vld.idx.msk [tilespmem:v10+s15+$0x0], $0xffff  }
0xa5: {  	s24 =	sor.u32 $0x300, s1;
	[tilespmem:s7+$0x11000] =	vst v0  }
0xa6: {  	s2 =	sor.u32 $0x380, s2;
	[tilespmem:s24+$0x11000] =	vst v7  }
0xa7: {  	s3 =	sor.u32 $0x380, s3;
	v1 =	vld.idx.msk [tilespmem:v1+s15+$0x0], $0xffff;
	[tilespmem:s2+$0x11000] =	vst v2  }
0xa8: {  	s25 =	sor.u32 $0x380, s9;
	[tilespmem:s3+$0x11000] =	vst v4  }
0xa9: {  	[tilespmem:s25+$0x11000] =	vst v5  }
0xaa: {  	s4 =	sshll.u32 s29, $0xD;
	s2 =	rddreg [dreg:$0x4]  }
0xab: {  	s1 =	sor.u32 $0x380, s1;
	s6 =	rddreg [dreg:$0x2];
	s3 =	sadd.s32 s2, s4  }
0xac: {  	s7 =	simm.s32 $0x11000;
	[tilespmem:s1+$0x11000] =	vst v1;
	s1 =	sadd.s32 s6, s3  }
0xad: {  	[hbm4b:s1+s5] =	stream.linear.scatter [tilespmem:s7], [sflag:$0x5], $0x4000, $0x38;
	[tilespmem:$0x19000] =	vst v63  }
0xae: {  	s1 =	simm.s32 @!p0 $0x6  }
0xaf: {  	_ =	swait.ge @!p0 [sflag:s1], $0x4000  }
0xb0: {  	s8 =	simm.s32 $0x0;
	[sflag:s1] =	ssyncset.done @!p0 $0x0  }
0xb1: {  	s9 =	sand.u32 $0x7C0, s8;
	[sflag:s1] =	ssyncadd.s32 @!p0 $0xFFFFC000  }
0xb2: {  	v0 =	vld [tilespmem:s9+$0x800];
	_ =	sdelay $0x4  }
0xb3: {  	s10 =	simm.s32 $0x830;
	v1 =	vshll.u32 v0, $0x3  }
0xb4: {  	v2 =	vld [tilespmem:s10+$0xFFFFFFE0];
	v0 =	vand.u32 $0x7F, v0;
	v1 =	vand.u32 $0xFFFFFC00, v1  }
0xb5: {  	v8 =	vor.u32 v0, v1  }
0xb6: {  	v0 =	vld [tilespmem:s10+$0xFFFFFFF0]  }
0xb7: {  	v3 =	vld [tilespmem:s10+$0x0];
	_ =	sdelay $0x1  }
0xb8: {  	v1 =	vshll.u32 v2, $0x3  }
0xb9: {  	v2 =	vand.u32 $0x7F, v2;
	v1 =	vand.u32 $0xFFFFFC00, v1;
	v4 =	vld.idx.msk [tilespmem:v8+s15+$0x0], $0xffff  }
0xba: {  	v5 =	vor.u32 $0x80, v8;
	v2 =	vor.u32 v2, v1;
	v1 =	vshll.u32 v0, $0x3  }
0xbb: {  	v6 =	vshll.u32 v3, $0x3;
	v0 =	vand.u32 $0x7F, v0;
	v1 =	vand.u32 $0xFFFFFC00, v1  }
0xbc: {  	s11 =	sand.u32 $0x40, s8;
	s2 =	sand.u32 $0x3C00, s8;
	v1 =	vor.u32 v0, v1;
	v0 =	vand.u32 $0x7F, v3;
	v3 =	vand.u32 $0xFFFFFC00, v6  }
0xbd: {  	s1 =	sor.u32 s11, s2;
	v0 =	vor.u32 v0, v3  }
0xbe: {  	[tilespmem:s1+$0x15000] =	vst v4  }
0xbf: {  	v3 =	vld.idx.msk [tilespmem:v5+s15+$0x0], $0xffff  }
0xc0: {  	v4 =	vor.u32 $0x100, v8;
	v5 =	vld.idx.msk [tilespmem:v2+s15+$0x0], $0xffff  }
0xc1: {  	v7 =	vor.u32 $0x80, v2;
	v6 =	vld.idx.msk [tilespmem:v1+s15+$0x0], $0xffff  }
0xc2: {  	v10 =	vor.u32 $0x80, v1;
	v9 =	vld.idx.msk [tilespmem:v0+s15+$0x0], $0xffff  }
0xc3: {  	v11 =	vor.u32 $0x80, v0;
	s1 =	sadd.s32 $0x15000, s1  }
0xc4: {  	[tilespmem:s1+$0x80] =	vst v3  }
0xc5: {  	[tilespmem:s1+$0x10] =	vst v5;
	v3 =	vld.idx.msk [tilespmem:v4+s15+$0x0], $0xffff  }
0xc6: {  	v5 =	vor.u32 $0x180, v8;
	v7 =	vld.idx.msk [tilespmem:v7+s15+$0x0], $0xffff;
	[tilespmem:s1+$0x20] =	vst v6  }
0xc7: {  	v6 =	vld.idx.msk [tilespmem:v10+s15+$0x0], $0xffff;
	[tilespmem:s1+$0x30] =	vst v9;
	v9 =	vor.u32 $0x100, v2  }
0xc8: {  	s12 =	simm.s32 $0x870;
	v10 =	vld.idx.msk [tilespmem:v11+s15+$0x0], $0xffff  }
0xc9: {  	v12 =	vld [tilespmem:s12+$0xFFFFFFF0];
	v11 =	vor.u32 $0x100, v1  }
0xca: {  	v4 =	vld [tilespmem:s12+$0xFFFFFFE0];
	[tilespmem:s1+$0x100] =	vst v3;
	v3 =	vor.u32 $0x100, v0  }
0xcb: {  	s7 =	simm.s32 $0x40;
	[tilespmem:s1+$0x90] =	vst v7;
	v5 =	vld.idx.msk [tilespmem:v5+s15+$0x0], $0xffff  }
0xcc: {  	s13 =	sand.u32 $0x7C0, s7;
	v7 =	vor.u32 $0x200, v8;
	v9 =	vld.idx.msk [tilespmem:v9+s15+$0x0], $0xffff;
	[tilespmem:s1+$0xA0] =	vst v6  }
0xcd: {  	v13 =	vld [tilespmem:s13+$0x800];
	[tilespmem:s1+$0xB0] =	vst v10;
	v10 =	vor.u32 $0x180, v2  }
0xce: {  	v6 =	vld.idx.msk [tilespmem:v11+s15+$0x0], $0xffff  }
0xcf: {  	v11 =	vor.u32 $0x180, v1;
	v14 =	vld.idx.msk [tilespmem:v3+s15+$0x0], $0xffff;
	v3 =	vshll.u32 v4, $0x3  }
0xd0: {  	v15 =	vld [tilespmem:s12+$0x0];
	v4 =	vand.u32 $0x7F, v4;
	[tilespmem:s1+$0x180] =	vst v5;
	v5 =	vor.u32 $0x180, v0;
	v3 =	vand.u32 $0xFFFFFC00, v3  }
0xd1: {  	p0 =	por $0x0, $0x0;
	s2 =	simm.s32 $0x1;
	[tilespmem:s1+$0x110] =	vst v9;
	v16 =	vld.idx.msk [tilespmem:v7+s15+$0x0], $0xffff;
	v4 =	vor.u32 v4, v3  }
0xd2: {  	s2 =	simm.s32 @!p0 $0x0;
	v9 =	vor.u32 $0x280, v8;
	v7 =	vshll.u32 v13, $0x3;
	v10 =	vld.idx.msk [tilespmem:v10+s15+$0x0], $0xffff  }
0xd3: {  	s2 =	sshll.u32 s2, $0x6;
	v3 =	vand.u32 $0x7F, v13;
	[tilespmem:s1+$0x120] =	vst v6;
	v13 =	vor.u32 $0x200, v2;
	v7 =	vand.u32 $0xFFFFFC00, v7  }
0xd4: {  	s28 =	sadd.s32 $0x0, s2;
	v11 =	vld.idx.msk [tilespmem:v11+s15+$0x0], $0xffff;
	v3 =	vor.u32 v3, v7;
	[tilespmem:s1+$0x130] =	vst v14  }
0xd5: {  	s2 =	sor.u32 $0x200, s28;
	v6 =	vshll.u32 v12, $0x3;
	v14 =	vld.idx.msk [tilespmem:v5+s15+$0x0], $0xffff;
	v5 =	vand.u32 $0x7F, v12;
	v12 =	vor.u32 $0x200, v1  }
0xd6: {  	v17 =	vshll.u32 v15, $0x3;
	v6 =	vand.u32 $0xFFFFFC00, v6;
	v7 =	vld.idx.msk [tilespmem:v4+s15+$0x0], $0xffff;
	[tilespmem:s2+$0x15000] =	vst v16;
	v16 =	vor.u32 $0x200, v0  }
0xd7: {  	v6 =	vor.u32 v5, v6;
	v5 =	vand.u32 $0x7F, v15;
	v15 =	vand.u32 $0xFFFFFC00, v17;
	[tilespmem:s1+$0x190] =	vst v10;
	v17 =	vld.idx.msk [tilespmem:v9+s15+$0x0], $0xffff  }
0xd8: {  	v5 =	vor.u32 v5, v15;
	v18 =	vld.idx.msk [tilespmem:v13+s15+$0x0], $0xffff  }
0xd9: {  	[tilespmem:s1+$0x1A0] =	vst v11;
	v11 =	vor.u32 $0x300, v8;
	v10 =	vld.idx.msk [tilespmem:v3+s15+$0x0], $0xffff  }
0xda: {  	v15 =	vor.u32 $0x80, v3;
	v19 =	vld.idx.msk [tilespmem:v12+s15+$0x0], $0xffff;
	[tilespmem:s1+$0x1B0] =	vst v14  }
0xdb: {  	s10 =	simm.s32 $0x200;
	v14 =	vor.u32 $0x280, v2;
	v16 =	vld.idx.msk [tilespmem:v16+s15+$0x0], $0xffff  }
0xdc: {  	s14 =	sand.u32 $0x40, s7;
	s17 =	sor.u32 $0x280, s28;
	s16 =	sand.u32 $0x3C00, s10;
	v62 =	vor.u32 $0x280, v1;
	v9 =	vld.idx.msk [tilespmem:v6+s15+$0x0], $0xffff  }
0xdd: {  	s6 =	simm.s32 $0x4;
	s18 =	sadd.s32 $0x10, s28;
	v63 =	vor.u32 $0x280, v0;
	s1 =	sor.u32 s14, s16;
	v12 =	vld.idx.msk [tilespmem:v5+s15+$0x0], $0xffff;
	[tilespmem:s17+$0x15000] =	vst v17  }
0xde: {  	s11 =	simm.s32 $0x8B0;
	s22 =	sadd.s32 $0x20, s28;
	s23 =	sor.u32 $0x200, s18;
	[tilespmem:s1+$0x15000] =	vst v10;
	v13 =	vld.idx.msk [tilespmem:v11+s15+$0x0], $0xffff  }
0xdf: {  	s25 =	sadd.s32 $0x30, s28;
	s24 =	sor.u32 $0x200, s22;
	s21 =	sor.u32 $0x280, s18;
	[tilespmem:s23+$0x15000] =	vst v18;
	v15 =	vld.idx.msk [tilespmem:v15+s15+$0x0], $0xffff  }
0xe0: {  	s8 =	sor.u32 $0x300, s18;
	s20 =	sor.u32 $0x300, s22;
	s17 =	sor.u32 $0x200, s25;
	v10 =	vld.idx.msk [tilespmem:v14+s15+$0x0], $0xffff;
	[tilespmem:s24+$0x15000] =	vst v19;
	v14 =	vor.u32 $0x380, v8  }
0xe1: {  	s9 =	sor.u32 $0x280, s25;
	s13 =	sor.u32 $0x380, s18;
	s12 =	sor.u32 $0x280, s22;
	v11 =	vld.idx.msk [tilespmem:v62+s15+$0x0], $0xffff;
	[tilespmem:s17+$0x15000] =	vst v16;
	v16 =	vor.u32 $0x100, v3  }
0xe2: {  	s2 =	sor.u32 $0x380, s22;
	s14 =	sor.u32 $0x300, s25;
	s16 =	sor.u32 $0x380, s25;
	v17 =	vor.u32 $0x80, v4;
	v8 =	vld.idx.msk [tilespmem:v63+s15+$0x0], $0xffff  }
.LBB2_5:
0xe3: {  	v18 =	vld [tilespmem:s11+$0xFFFFFFE0];
	v19 =	vor.u32 $0x80, v6;
	s4 =	sor.u32 $0x300, s28  }
0xe4: {  	s22 =	sadd.s32 $0x15000, s1;
	v21 =	vor.u32 $0x80, v5;
	v20 =	vld [tilespmem:s11+$0xFFFFFFF0];
	[tilespmem:s4+$0x15000] =	vst v13  }
0xe5: {  	[tilespmem:s22+$0x80] =	vst v15;
	v13 =	vld.idx.msk [tilespmem:v14+s15+$0x0], $0xffff;
	v14 =	vor.u32 $0x300, v2  }
0xe6: {  	v15 =	vld.idx.msk [tilespmem:v16+s15+$0x0], $0xffff;
	[tilespmem:s22+$0x10] =	vst v7;
	v7 =	vor.u32 $0x300, v1  }
0xe7: {  	v16 =	vld.idx.msk [tilespmem:v17+s15+$0x0], $0xffff;
	[tilespmem:s22+$0x20] =	vst v9  }
0xe8: {  	v9 =	vor.u32 $0x180, v3;
	v17 =	vld.idx.msk [tilespmem:v19+s15+$0x0], $0xffff;
	[tilespmem:s22+$0x30] =	vst v12  }
0xe9: {  	v12 =	vor.u32 $0x100, v4;
	v19 =	vld.idx.msk [tilespmem:v21+s15+$0x0], $0xffff;
	[tilespmem:s21+$0x15000] =	vst v10  }
0xea: {  	s1 =	sor.u32 $0x380, s28;
	v10 =	vor.u32 $0x100, v6;
	v14 =	vld.idx.msk [tilespmem:v14+s15+$0x0], $0xffff;
	[tilespmem:s12+$0x15000] =	vst v11  }
0xeb: {  	[tilespmem:s1+$0x15000] =	vst v13;
	v7 =	vld.idx.msk [tilespmem:v7+s15+$0x0], $0xffff  }
0xec: {  	v13 =	vor.u32 $0x100, v5;
	v11 =	vld [tilespmem:s11+$0x0];
	[tilespmem:s22+$0x100] =	vst v15  }
0xed: {  	v15 =	vor.u32 $0x300, v0;
	v9 =	vld.idx.msk [tilespmem:v9+s15+$0x0], $0xffff;
	[tilespmem:s22+$0x90] =	vst v16  }
0xee: {  	s7 =	sadd.s32 $0x40, s7;
	v16 =	vor.u32 $0x380, v2;
	v2 =	vmov v4;
	v12 =	vld.idx.msk [tilespmem:v12+s15+$0x0], $0xffff;
	[tilespmem:s22+$0xA0] =	vst v17  }
0xef: {  	s6 =	sadd.s32 $0x4, s6;
	s1 =	sand.u32 $0x7C0, s7;
	v4 =	vor.u32 $0x200, v3;
	v10 =	vld.idx.msk [tilespmem:v10+s15+$0x0], $0xffff;
	[tilespmem:s22+$0xB0] =	vst v19  }
0xf0: {  	p1 =	slt.u32 s6, $0x7C;
	v19 =	vor.u32 $0x180, v2;
	v17 =	vld [tilespmem:s1+$0x800];
	[tilespmem:s9+$0x15000] =	vst v8  }
0xf1: {  	v8 =	vor.u32 $0x180, v6;
	v13 =	vld.idx.msk [tilespmem:v13+s15+$0x0], $0xffff;
	[tilespmem:s8+$0x15000] =	vst v14  }
0xf2: {  	[tilespmem:s20+$0x15000] =	vst v7;
	v7 =	vor.u32 $0x380, v1;
	v14 =	vld.idx.msk [tilespmem:v15+s15+$0x0], $0xffff;
	v1 =	vmov v6  }
0xf3: {  	v6 =	vshll.u32 v18, $0x3;
	[tilespmem:s22+$0x180] =	vst v9;
	v9 =	vor.u32 $0x180, v5;
	v15 =	vld.idx.msk [tilespmem:v16+s15+$0x0], $0xffff  }
0xf4: {  	v16 =	vand.u32 $0x7F, v18;
	v6 =	vand.u32 $0xFFFFFC00, v6;
	v18 =	vld.idx.msk [tilespmem:v4+s15+$0x0], $0xffff;
	[tilespmem:s22+$0x110] =	vst v12;
	v12 =	vor.u32 $0x380, v0;
	v0 =	vmovc v5  }
0xf5: {  	p0 =	por !p0, !p0;
	s1 =	simm.s32 $0x1;
	v4 =	vor.u32 v16, v6;
	v5 =	vshll.u32 v17, $0x3;
	v16 =	vld.idx.msk [tilespmem:v19+s15+$0x0], $0xffff;
	[tilespmem:s22+$0x120] =	vst v10  }
0xf6: {  	s1 =	simm.s32 @!p0 $0x0;
	v6 =	vand.u32 $0x7F, v17;
	v10 =	vor.u32 $0x280, v3;
	v5 =	vand.u32 $0xFFFFFC00, v5;
	v8 =	vld.idx.msk [tilespmem:v8+s15+$0x0], $0xffff  }
0xf7: {  	s1 =	sshll.u32 s1, $0x6;
	v17 =	vor.u32 v6, v5;
	[tilespmem:s22+$0x130] =	vst v13;
	v13 =	vld.idx.msk [tilespmem:v7+s15+$0x0], $0xffff  }
0xf8: {  	s28 =	sadd.s32 s1, s10;
	v19 =	vor.u32 $0x200, v2;
	v9 =	vld.idx.msk [tilespmem:v9+s15+$0x0], $0xffff;
	[tilespmem:s14+$0x15000] =	vst v14  }
0xf9: {  	s1 =	sor.u32 $0x200, s28;
	s4 =	sadd.s32 $0x10, s28;
	s17 =	sadd.s32 $0x20, s28;
	v5 =	vand.u32 $0x7F, v20;
	v6 =	vshll.u32 v20, $0x3;
	v14 =	vor.u32 $0x200, v1;
	[tilespmem:s13+$0x15000] =	vst v15;
	v12 =	vld.idx.msk [tilespmem:v12+s15+$0x0], $0xffff  }
0xfa: {  	s18 =	sor.u32 $0x200, s4;
	s23 =	sor.u32 $0x200, s17;
	v6 =	vand.u32 $0xFFFFFC00, v6;
	v15 =	vshll.u32 v11, $0x3;
	v7 =	vld.idx.msk [tilespmem:v4+s15+$0x0], $0xffff;
	[tilespmem:s1+$0x15000] =	vst v18;
	v18 =	vor.u32 $0x200, v0;
	s1 =	sadd.s32 $0x30, s28  }
0xfb: {  	s21 =	sor.u32 $0x280, s4;
	s12 =	sor.u32 $0x280, s17;
	v6 =	vor.u32 v5, v6;
	v5 =	vand.u32 $0x7F, v11;
	v11 =	vand.u32 $0xFFFFFC00, v15;
	v10 =	vld.idx.msk [tilespmem:v10+s15+$0x0], $0xffff;
	[tilespmem:s22+$0x190] =	vst v16;
	s24 =	sor.u32 $0x200, s1  }
0xfc: {  	s8 =	sor.u32 $0x300, s4;
	s20 =	sor.u32 $0x300, s17;
	v5 =	vor.u32 v5, v11;
	s9 =	sor.u32 $0x280, s1;
	v15 =	vld.idx.msk [tilespmem:v17+s15+$0x0], $0xffff;
	[tilespmem:s22+$0x1A0] =	vst v8  }
0xfd: {  	s13 =	sor.u32 $0x380, s4;
	s14 =	sor.u32 $0x300, s1;
	v8 =	vor.u32 $0x300, v3;
	v11 =	vld.idx.msk [tilespmem:v19+s15+$0x0], $0xffff;
	[tilespmem:s2+$0x15000] =	vst v13;
	s2 =	sor.u32 $0x380, s17  }
0xfe: {  	v16 =	vor.u32 $0x80, v17;
	s1 =	sor.u32 $0x380, s1;
	v19 =	vld.idx.msk [tilespmem:v14+s15+$0x0], $0xffff;
	[tilespmem:s22+$0x1B0] =	vst v9  }
0xff: {  	s10 =	sadd.s32 $0x200, s10;
	v20 =	vor.u32 $0x280, v2;
	v18 =	vld.idx.msk [tilespmem:v18+s15+$0x0], $0xffff;
	[tilespmem:s16+$0x15000] =	vst v12;
	s16 =	smov.u32 s1  }
0x100: {  	v21 =	vor.u32 $0x280, v1;
	s4 =	sand.u32 $0x3C00, s10;
	s17 =	sor.u32 $0x280, s28;
	s1 =	sand.u32 $0x40, s7;
	v9 =	vld.idx.msk [tilespmem:v6+s15+$0x0], $0xffff  }
0x101: {  	v22 =	vor.u32 $0x280, v0;
	s1 =	sor.u32 s1, s4;
	v12 =	vld.idx.msk [tilespmem:v5+s15+$0x0], $0xffff;
	[tilespmem:s17+$0x15000] =	vst v10  }
.Ltmp1:
0x102: {  	[tilespmem:s1+$0x15000] =	vst v15;
	v13 =	vld.idx.msk [tilespmem:v8+s15+$0x0], $0xffff;
	(pc) =	sbr.rel @p1 .LBB2_5-.Ltmp1, $4  }
0x103: {  	v15 =	vld.idx.msk [tilespmem:v16+s15+$0x0], $0xffff;
	[tilespmem:s18+$0x15000] =	vst v11  }
0x104: {  	v14 =	vor.u32 $0x380, v3;
	v3 =	vmov v17;
	v10 =	vld.idx.msk [tilespmem:v20+s15+$0x0], $0xffff;
	[tilespmem:s23+$0x15000] =	vst v19  }
0x105: {  	v16 =	vor.u32 $0x100, v3;
	v11 =	vld.idx.msk [tilespmem:v21+s15+$0x0], $0xffff;
	[tilespmem:s24+$0x15000] =	vst v18  }
0x106: {  	s11 =	sadd.s32 $0x40, s11;
	v17 =	vor.u32 $0x80, v4;
	v8 =	vld.idx.msk [tilespmem:v22+s15+$0x0], $0xffff  }
0x107: {  	v18 =	vor.u32 $0x80, v6  }
0x108: {  	v19 =	vor.u32 $0x80, v5  }
0x109: {  	s1 =	sadd.s32 $0x15000, s1  }
0x10a: {  	[tilespmem:s1+$0x10] =	vst v7  }
0x10b: {  	[tilespmem:s1+$0x20] =	vst v9;
	v7 =	vld.idx.msk [tilespmem:v17+s15+$0x0], $0xffff  }
0x10c: {  	[tilespmem:s1+$0x30] =	vst v12;
	v12 =	vor.u32 $0x100, v4;
	v9 =	vld.idx.msk [tilespmem:v18+s15+$0x0], $0xffff  }
0x10d: {  	v17 =	vld.idx.msk [tilespmem:v19+s15+$0x0], $0xffff;
	v18 =	vor.u32 $0x100, v6  }
0x10e: {  	v19 =	vor.u32 $0x100, v5  }
0x10f: {  	[tilespmem:s1+$0x80] =	vst v15  }
0x110: {  	v15 =	vld.idx.msk [tilespmem:v16+s15+$0x0], $0xffff;
	[tilespmem:s1+$0x90] =	vst v7  }
0x111: {  	v7 =	vor.u32 $0x180, v3;
	v12 =	vld.idx.msk [tilespmem:v12+s15+$0x0], $0xffff;
	[tilespmem:s1+$0xA0] =	vst v9  }
0x112: {  	v16 =	vor.u32 $0x180, v4;
	[tilespmem:s1+$0xB0] =	vst v17;
	v9 =	vld.idx.msk [tilespmem:v18+s15+$0x0], $0xffff  }
0x113: {  	s4 =	sor.u32 $0x300, s28;
	v17 =	vor.u32 $0x180, v6;
	v18 =	vld.idx.msk [tilespmem:v19+s15+$0x0], $0xffff  }
0x114: {  	[tilespmem:s4+$0x15000] =	vst v13;
	v13 =	vor.u32 $0x180, v5  }
0x115: {  	[tilespmem:s1+$0x100] =	vst v15  }
0x116: {  	v7 =	vld.idx.msk [tilespmem:v7+s15+$0x0], $0xffff;
	[tilespmem:s1+$0x110] =	vst v12  }
0x117: {  	v12 =	vor.u32 $0x200, v3;
	v15 =	vld.idx.msk [tilespmem:v16+s15+$0x0], $0xffff;
	[tilespmem:s1+$0x120] =	vst v9  }
0x118: {  	v16 =	vor.u32 $0x200, v4;
	[tilespmem:s1+$0x130] =	vst v18;
	v9 =	vld.idx.msk [tilespmem:v17+s15+$0x0], $0xffff  }
0x119: {  	[tilespmem:s21+$0x15000] =	vst v10;
	v10 =	vld.idx.msk [tilespmem:v13+s15+$0x0], $0xffff;
	v13 =	vor.u32 $0x200, v6  }
0x11a: {  	v14 =	vld.idx.msk [tilespmem:v14+s15+$0x0], $0xffff;
	[tilespmem:s12+$0x15000] =	vst v11;
	v11 =	vor.u32 $0x200, v5  }
0x11b: {  	v17 =	vor.u32 $0x300, v2;
	[tilespmem:s1+$0x180] =	vst v7  }
0x11c: {  	p0 =	por !p0, !p0;
	s4 =	simm.s32 $0x1;
	v7 =	vor.u32 $0x300, v1;
	v12 =	vld.idx.msk [tilespmem:v12+s15+$0x0], $0xffff;
	[tilespmem:s1+$0x190] =	vst v15  }
0x11d: {  	s4 =	simm.s32 @!p0 $0x0;
	v15 =	vor.u32 $0x280, v3;
	[tilespmem:s1+$0x1A0] =	vst v9;
	v9 =	vld.idx.msk [tilespmem:v16+s15+$0x0], $0xffff  }
0x11e: {  	s6 =	sor.u32 $0x380, s28;
	s4 =	sshll.u32 s4, $0x6;
	[tilespmem:s1+$0x1B0] =	vst v10;
	v10 =	vor.u32 $0x280, v4;
	v13 =	vld.idx.msk [tilespmem:v13+s15+$0x0], $0xffff  }
0x11f: {  	[tilespmem:s6+$0x15000] =	vst v14;
	v14 =	vor.u32 $0x280, v6;
	s1 =	sadd.s32 s4, s10;
	v11 =	vld.idx.msk [tilespmem:v11+s15+$0x0], $0xffff  }
0x120: {  	[tilespmem:s9+$0x15000] =	vst v8;
	v8 =	vor.u32 $0x280, v5;
	v16 =	vld.idx.msk [tilespmem:v17+s15+$0x0], $0xffff;
	s22 =	sor.u32 $0x200, s1;
	s4 =	sadd.s32 $0x10, s1  }
0x121: {  	v7 =	vld.idx.msk [tilespmem:v7+s15+$0x0], $0xffff;
	v17 =	vor.u32 $0x300, v0;
	s7 =	sadd.s32 $0x20, s1;
	[tilespmem:s22+$0x15000] =	vst v12;
	s23 =	sor.u32 $0x200, s4  }
0x122: {  	v2 =	vor.u32 $0x380, v2;
	s6 =	sadd.s32 $0x30, s1;
	s24 =	sor.u32 $0x200, s7;
	[tilespmem:s23+$0x15000] =	vst v9;
	v9 =	vld.idx.msk [tilespmem:v15+s15+$0x0], $0xffff  }
0x123: {  	s25 =	sor.u32 $0x200, s6;
	v12 =	vor.u32 $0x300, v3;
	[tilespmem:s24+$0x15000] =	vst v13;
	v10 =	vld.idx.msk [tilespmem:v10+s15+$0x0], $0xffff  }
0x124: {  	[tilespmem:s25+$0x15000] =	vst v11;
	v11 =	vor.u32 $0x300, v4;
	v13 =	vld.idx.msk [tilespmem:v14+s15+$0x0], $0xffff  }
0x125: {  	[tilespmem:s8+$0x15000] =	vst v16;
	v8 =	vld.idx.msk [tilespmem:v8+s15+$0x0], $0xffff;
	v14 =	vor.u32 $0x300, v6  }
0x126: {  	s10 =	sor.u32 $0x280, s1;
	[tilespmem:s20+$0x15000] =	vst v7;
	v7 =	vld.idx.msk [tilespmem:v17+s15+$0x0], $0xffff;
	v15 =	vor.u32 $0x300, v5  }
0x127: {  	v1 =	vor.u32 $0x380, v1;
	s11 =	sor.u32 $0x280, s4;
	v2 =	vld.idx.msk [tilespmem:v2+s15+$0x0], $0xffff;
	[tilespmem:s10+$0x15000] =	vst v9  }
0x128: {  	v0 =	vor.u32 $0x380, v0;
	s12 =	sor.u32 $0x280, s7;
	v9 =	vld.idx.msk [tilespmem:v12+s15+$0x0], $0xffff;
	[tilespmem:s11+$0x15000] =	vst v10  }
0x129: {  	s17 =	sor.u32 $0x280, s6;
	v3 =	vor.u32 $0x380, v3;
	v10 =	vld.idx.msk [tilespmem:v11+s15+$0x0], $0xffff;
	[tilespmem:s12+$0x15000] =	vst v13  }
0x12a: {  	v4 =	vor.u32 $0x380, v4;
	[tilespmem:s17+$0x15000] =	vst v8;
	v11 =	vld.idx.msk [tilespmem:v14+s15+$0x0], $0xffff  }
0x12b: {  	v6 =	vor.u32 $0x380, v6;
	[tilespmem:s14+$0x15000] =	vst v7;
	v7 =	vld.idx.msk [tilespmem:v15+s15+$0x0], $0xffff  }
0x12c: {  	s18 =	sor.u32 $0x300, s1;
	v1 =	vld.idx.msk [tilespmem:v1+s15+$0x0], $0xffff;
	[tilespmem:s13+$0x15000] =	vst v2;
	v2 =	vor.u32 $0x380, v5  }
0x12d: {  	s20 =	sor.u32 $0x300, s4;
	v0 =	vld.idx.msk [tilespmem:v0+s15+$0x0], $0xffff;
	[tilespmem:s18+$0x15000] =	vst v9  }
0x12e: {  	s21 =	sor.u32 $0x300, s7;
	v3 =	vld.idx.msk [tilespmem:v3+s15+$0x0], $0xffff;
	[tilespmem:s20+$0x15000] =	vst v10  }
0x12f: {  	s22 =	sor.u32 $0x300, s6;
	[tilespmem:s21+$0x15000] =	vst v11;
	v4 =	vld.idx.msk [tilespmem:v4+s15+$0x0], $0xffff  }
0x130: {  	[tilespmem:s22+$0x15000] =	vst v7;
	v5 =	vld.idx.msk [tilespmem:v6+s15+$0x0], $0xffff  }
0x131: {  	[tilespmem:s2+$0x15000] =	vst v1;
	v1 =	vld.idx.msk [tilespmem:v2+s15+$0x0], $0xffff  }
0x132: {  	s1 =	sor.u32 $0x380, s1;
	[tilespmem:s16+$0x15000] =	vst v0  }
0x133: {  	s23 =	sor.u32 $0x380, s4;
	[tilespmem:s1+$0x15000] =	vst v3  }
0x134: {  	s24 =	sor.u32 $0x380, s7;
	[tilespmem:s23+$0x15000] =	vst v4  }
0x135: {  	s25 =	sor.u32 $0x380, s6;
	[tilespmem:s24+$0x15000] =	vst v5  }
0x136: {  	[tilespmem:s25+$0x15000] =	vst v1  }
0x137: {  	s1 =	rddreg [dreg:$0x9]  }
0x138: {  	s4 =	simm.s32 $0x15000;
	s6 =	simm.s32 $0x2;
	s1 =	sadd.s32 s3, s1  }
0x139: {  	[hbm4b:s1+s5] =	stream.linear.scatter [tilespmem:s4], [sflag:$0x6], $0x4000, $0x38;
	[tilespmem:$0x19000] =	vst v63  }
0x13a: {  	_ =	swait.ge [sflag:s6], $0x4000  }
0x13b: {  	[sflag:s6] =	ssyncset.done $0x0  }
0x13c: {  	s7 =	simm.s32 $0x4;
	[sflag:s6] =	ssyncadd.s32 $0xFFFFC000  }
0x13d: {  	_ =	swait.ge [sflag:s7], $0x4000  }
0x13e: {  	p0 =	seq.s32 s29, $0xF;
	s1 =	rddreg [dreg:$0xa]  }
0x13f: {  	s0 =	sadd.s32 @!p0 s0, s1  }
0x140: {  	s2 =	simm.s32 @!p0 $0x0;
	[sflag:s7] =	ssyncset.done $0x0;
	s0 =	sshll.u32 @!p0 s0, $0xC  }
0x141: {  	s3 =	simm.s32 @!p0 $0x1000;
	[sflag:s7] =	ssyncadd.s32 $0xFFFFC000;
	s1 =	sadd.s32 @!p0 s26, s0  }
0x142: {  	[tilespmem:s3], [sflag:$0x1] =	stream.linear.gather @!p0 [hbm4b:s1+s2], $0x4000, $0x38;
	[tilespmem:$0x19000] =	vst v63  }
0x143: {  	s9 =	simm.s32 $0x5;
	s1 =	rddreg [dreg:$0x6]  }
0x144: {  	s8 =	simm.s32 $0x0;
	s0 =	sadd.s32 @!p0 s0, s1;
	s1 =	simm.s32 @!p0 $0x5000  }
0x145: {  	[tilespmem:s1], [sflag:$0x3] =	stream.linear.gather @!p0 [hbm4b:s0+s2], $0x4000, $0x38;
	[tilespmem:$0x19000] =	vst v63  }
0x146: {  	s10 =	sand.u32 $0x40, s8;
	_ =	swait.ge [sflag:s9], $0x4000  }
0x147: {  	s11 =	sand.u32 $0x780, s8;
	s12 =	sor.u32 $0x30, s10;
	[sflag:s9] =	ssyncset.done $0x0  }
0x148: {  	s13 =	sor.u32 s12, s11;
	[sflag:s9] =	ssyncadd.s32 $0xFFFFC000  }
0x149: {  	v0 =	vld [tilespmem:s13+$0x0]  }
0x14a: {  	s14 =	sor.u32 $0x10, s10;
	v1 =	vld [tilespmem:s8+$0x0]  }
0x14b: {  	s17 =	sor.u32 s14, s11;
	s16 =	sor.u32 $0x20, s10  }
0x14c: {  	s2 =	sor.u32 s16, s11;
	v2 =	vld [tilespmem:s17+$0x0]  }
0x14d: {  	v3 =	vld [tilespmem:s2+$0x0]  }
0x14e: {  	v4 =	vshll.u32 v0, $0x3  }
0x14f: {  	v5 =	vshll.u32 v1, $0x3;
	v0 =	vand.u32 $0x7F, v0;
	v4 =	vand.u32 $0xFFFFFC00, v4  }
0x150: {  	v1 =	vand.u32 $0x7F, v1;
	v6 =	vand.u32 $0xFFFFFC00, v5;
	v5 =	vor.u32 v0, v4  }
0x151: {  	v0 =	vor.u32 v1, v6;
	v1 =	vshll.u32 v2, $0x3  }
0x152: {  	v4 =	vshll.u32 v3, $0x3;
	v2 =	vand.u32 $0x7F, v2;
	v1 =	vand.u32 $0xFFFFFC00, v1  }
0x153: {  	v6 =	vand.u32 $0xFFFFFC00, v4;
	v4 =	vor.u32 v2, v1;
	v1 =	vand.u32 $0x7F, v3  }
0x154: {  	v3 =	vor.u32 v1, v6  }
0x155: {  	v1 =	vld.idx.msk [tilespmem:v5+s19+$0x0], $0xffff  }
0x156: {  	v6 =	vor.u32 $0x80, v5;
	v2 =	vld.idx.msk [tilespmem:v0+s19+$0x0], $0xffff  }
0x157: {  	s0 =	sand.u32 $0x3C00, s8;
	v7 =	vor.u32 $0x80, v0  }
0x158: {  	s0 =	sadd.s32 $0x11000, s0;
	v8 =	vld.idx.msk [tilespmem:v4+s19+$0x0], $0xffff  }
0x159: {  	s3 =	sor.u32 s12, s0;
	v9 =	vor.u32 $0x80, v4;
	v10 =	vld.idx.msk [tilespmem:v3+s19+$0x0], $0xffff  }
0x15a: {  	s1 =	sor.u32 s10, s0;
	v11 =	vor.u32 $0x80, v3;
	[tilespmem:s3+$0x0] =	vst v1  }
0x15b: {  	[tilespmem:s1+$0x0] =	vst v2;
	v1 =	vld.idx.msk [tilespmem:v6+s19+$0x0], $0xffff  }
0x15c: {  	s18 =	sor.u32 s14, s0;
	v2 =	vld.idx.msk [tilespmem:v7+s19+$0x0], $0xffff;
	v6 =	vor.u32 $0x100, v5  }
0x15d: {  	s20 =	sor.u32 s16, s0;
	v7 =	vor.u32 $0x100, v0;
	[tilespmem:s18+$0x0] =	vst v8  }
0x15e: {  	v8 =	vld.idx.msk [tilespmem:v9+s19+$0x0], $0xffff;
	[tilespmem:s20+$0x0] =	vst v10  }
0x15f: {  	v9 =	vor.u32 $0x100, v4;
	v10 =	vld.idx.msk [tilespmem:v11+s19+$0x0], $0xffff  }
0x160: {  	v11 =	vor.u32 $0x100, v3;
	[tilespmem:s3+$0x80] =	vst v1  }
0x161: {  	[tilespmem:s1+$0x80] =	vst v2;
	v1 =	vld.idx.msk [tilespmem:v6+s19+$0x0], $0xffff  }
0x162: {  	v2 =	vld.idx.msk [tilespmem:v7+s19+$0x0], $0xffff;
	v6 =	vor.u32 $0x180, v5  }
0x163: {  	v7 =	vor.u32 $0x180, v0;
	[tilespmem:s18+$0x80] =	vst v8  }
0x164: {  	v8 =	vld.idx.msk [tilespmem:v9+s19+$0x0], $0xffff;
	[tilespmem:s20+$0x80] =	vst v10  }
0x165: {  	s0 =	simm.s32 $0x40;
	v9 =	vor.u32 $0x180, v4;
	v10 =	vld.idx.msk [tilespmem:v11+s19+$0x0], $0xffff  }
0x166: {  	s21 =	sand.u32 $0x40, s0;
	v11 =	vld [tilespmem:s0+$0x0];
	[tilespmem:s3+$0x100] =	vst v1  }
0x167: {  	s22 =	sand.u32 $0x780, s0;
	s23 =	sor.u32 $0x30, s21;
	[tilespmem:s1+$0x100] =	vst v2;
	v1 =	vld.idx.msk [tilespmem:v6+s19+$0x0], $0xffff  }
0x168: {  	s24 =	sor.u32 s23, s22;
	v2 =	vor.u32 $0x180, v3;
	v6 =	vld.idx.msk [tilespmem:v7+s19+$0x0], $0xffff  }
0x169: {  	s25 =	sor.u32 $0x10, s21;
	v7 =	vor.u32 $0x200, v5;
	[tilespmem:s18+$0x100] =	vst v8;
	v8 =	vld [tilespmem:s24+$0x0]  }
0x16a: {  	s28 =	smov.u32 s26;
	s26 =	sor.u32 $0x20, s21;
	s11 =	sor.u32 s25, s22;
	v9 =	vld.idx.msk [tilespmem:v9+s19+$0x0], $0xffff  }
0x16b: {  	s10 =	sor.u32 s26, s22;
	v13 =	vld [tilespmem:s11+$0x0];
	v12 =	vor.u32 $0x200, v4;
	v14 =	vshll.u32 v11, $0x3  }
0x16c: {  	v15 =	vld [tilespmem:s10+$0x0];
	[tilespmem:s20+$0x100] =	vst v10;
	v10 =	vor.u32 $0x200, v0;
	v11 =	vand.u32 $0x7F, v11;
	v14 =	vand.u32 $0xFFFFFC00, v14  }
0x16d: {  	p0 =	por $0x0, $0x0;
	v16 =	vld.idx.msk [tilespmem:v2+s19+$0x0], $0xffff;
	[tilespmem:s3+$0x180] =	vst v1;
	v1 =	vor.u32 v11, v14;
	s3 =	simm.s32 $0x1  }
0x16e: {  	v11 =	vor.u32 $0x200, v3;
	v7 =	vld.idx.msk [tilespmem:v7+s19+$0x0], $0xffff;
	v2 =	vshll.u32 v8, $0x3;
	s3 =	simm.s32 @!p0 $0x0  }
0x16f: {  	v8 =	vand.u32 $0x7F, v8;
	[tilespmem:s18+$0x180] =	vst v9;
	v2 =	vand.u32 $0xFFFFFC00, v2;
	s3 =	sshll.u32 s3, $0x6;
	v9 =	vor.u32 $0x280, v5  }
0x170: {  	v14 =	vor.u32 $0x280, v4;
	[tilespmem:s1+$0x180] =	vst v6;
	v6 =	vld.idx.msk [tilespmem:v12+s19+$0x0], $0xffff;
	v12 =	vshll.u32 v13, $0x3;
	v2 =	vor.u32 v8, v2;
	s1 =	sadd.s32 $0x0, s3  }
0x171: {  	v8 =	vld.idx.msk [tilespmem:v10+s19+$0x0], $0xffff;
	v10 =	vshll.u32 v15, $0x3;
	v13 =	vand.u32 $0x7F, v13;
	v12 =	vand.u32 $0xFFFFFC00, v12;
	s3 =	sadd.s32 $0x30, s1  }
0x172: {  	v10 =	vand.u32 $0xFFFFFC00, v10;
	[tilespmem:s20+$0x180] =	vst v16;
	v17 =	vld.idx.msk [tilespmem:v1+s19+$0x0], $0xffff;
	v21 =	vor.u32 v13, v12;
	v12 =	vand.u32 $0x7F, v15;
	s12 =	sor.u32 $0x200, s3  }
0x173: {  	s13 =	sadd.s32 $0x10, s1;
	v11 =	vld.idx.msk [tilespmem:v11+s19+$0x0], $0xffff;
	v10 =	vor.u32 v12, v10;
	[tilespmem:s12+$0x11000] =	vst v7  }
0x174: {  	s14 =	sor.u32 $0x200, s13;
	v7 =	vor.u32 $0x280, v0;
	v9 =	vld.idx.msk [tilespmem:v9+s19+$0x0], $0xffff  }
0x175: {  	s2 =	simm.s32 $0x200;
	s16 =	sor.u32 $0x200, s1;
	v12 =	vor.u32 $0x280, v3;
	v13 =	vld.idx.msk [tilespmem:v2+s19+$0x0], $0xffff;
	[tilespmem:s14+$0x11000] =	vst v6  }
0x176: {  	s18 =	sand.u32 $0x3C00, s2;
	s12 =	sadd.s32 $0x20, s1;
	[tilespmem:s16+$0x11000] =	vst v8;
	v8 =	vor.u32 $0x80, v1;
	v6 =	vld.idx.msk [tilespmem:v14+s19+$0x0], $0xffff  }
0x177: {  	s10 =	sadd.s32 $0x11000, s18;
	s17 =	sor.u32 $0x200, s12;
	v14 =	vor.u32 $0x300, v5;
	v15 =	vld.idx.msk [tilespmem:v21+s19+$0x0], $0xffff  }
0x178: {  	v16 =	vor.u32 $0x80, v2;
	s16 =	sor.u32 s21, s10;
	[tilespmem:s17+$0x11000] =	vst v11;
	v18 =	vld.idx.msk [tilespmem:v10+s19+$0x0], $0xffff  }
0x179: {  	s20 =	sor.u32 $0x280, s3;
	v19 =	vor.u32 $0x80, v21;
	[tilespmem:s16+$0x0] =	vst v17;
	v7 =	vld.idx.msk [tilespmem:v7+s19+$0x0], $0xffff  }
0x17a: {  	s9 =	sor.u32 s23, s10;
	v11 =	vor.u32 $0x80, v10;
	v12 =	vld.idx.msk [tilespmem:v12+s19+$0x0], $0xffff;
	[tilespmem:s20+$0x11000] =	vst v9  }
0x17b: {  	s21 =	sor.u32 $0x280, s13;
	v9 =	vor.u32 $0x300, v4;
	[tilespmem:s9+$0x0] =	vst v13;
	v8 =	vld.idx.msk [tilespmem:v8+s19+$0x0], $0xffff  }
0x17c: {  	s11 =	sor.u32 s25, s10;
	v13 =	vld.idx.msk [tilespmem:v14+s19+$0x0], $0xffff;
	v14 =	vor.u32 $0x300, v3;
	[tilespmem:s21+$0x11000] =	vst v6  }
0x17d: {  	s6 =	sor.u32 s26, s10;
	v5 =	vor.u32 $0x380, v5;
	v16 =	vld.idx.msk [tilespmem:v16+s19+$0x0], $0xffff;
	[tilespmem:s11+$0x0] =	vst v15  }
0x17e: {  	s22 =	sor.u32 $0x280, s12;
	v17 =	vor.u32 $0x100, v2;
	v15 =	vld.idx.msk [tilespmem:v19+s19+$0x0], $0xffff;
	[tilespmem:s6+$0x0] =	vst v18  }
0x17f: {  	v18 =	vor.u32 $0x100, v1;
	[tilespmem:s22+$0x11000] =	vst v12;
	v20 =	vld.idx.msk [tilespmem:v11+s19+$0x0], $0xffff  }
0x180: {  	s23 =	sor.u32 $0x300, s3;
	v6 =	vor.u32 $0x100, v21;
	v22 =	vld.idx.msk [tilespmem:v9+s19+$0x0], $0xffff;
	[tilespmem:s16+$0x80] =	vst v8  }
0x181: {  	v23 =	vor.u32 $0x100, v10;
	v14 =	vld.idx.msk [tilespmem:v14+s19+$0x0], $0xffff;
	[tilespmem:s23+$0x11000] =	vst v13  }
0x182: {  	[tilespmem:s9+$0x80] =	vst v16;
	v16 =	vor.u32 $0x300, v0;
	v24 =	vld.idx.msk [tilespmem:v5+s19+$0x0], $0xffff  }
0x183: {  	v25 =	vor.u32 $0x380, v4;
	v19 =	vld.idx.msk [tilespmem:v17+s19+$0x0], $0xffff;
	[tilespmem:s11+$0x80] =	vst v15  }
0x184: {  	s25 =	sor.u32 $0x300, s13;
	v4 =	vor.u32 $0x380, v21;
	v17 =	vld.idx.msk [tilespmem:v18+s19+$0x0], $0xffff;
	[tilespmem:s6+$0x80] =	vst v20  }
0x185: {  	s24 =	sor.u32 $0x280, s1;
	v11 =	vor.u32 $0x200, v21;
	v8 =	vor.u32 $0x280, v21;
	v18 =	vld.idx.msk [tilespmem:v6+s19+$0x0], $0xffff;
	[tilespmem:s25+$0x11000] =	vst v22;
	v22 =	vor.u32 $0x180, v2  }
0x186: {  	s8 =	simm.s32 $0x80;
	s26 =	sor.u32 $0x380, s3;
	[tilespmem:s24+$0x11000] =	vst v7;
	v13 =	vor.u32 $0x180, v21;
	v6 =	vor.u32 $0x300, v21;
	v21 =	vor.u32 $0x180, v1;
	v20 =	vld.idx.msk [tilespmem:v23+s19+$0x0], $0xffff  }
0x187: {  	s3 =	sor.u32 $0x380, s1;
	s7 =	sor.u32 $0x380, s12;
	s10 =	simm.s32 $0x4;
	v3 =	vor.u32 $0x380, v3;
	v12 =	vor.u32 $0x180, v10;
	v7 =	vor.u32 $0x280, v10;
	v15 =	vld.idx.msk [tilespmem:v16+s19+$0x0], $0xffff  }
0x188: {  	s14 =	sor.u32 $0x300, s1;
	s13 =	sor.u32 $0x380, s13;
	s20 =	sor.u32 $0x300, s12;
	v9 =	vor.u32 $0x200, v10;
	v5 =	vor.u32 $0x300, v10;
	v10 =	vor.u32 $0x380, v10;
	v16 =	vld.idx.msk [tilespmem:v25+s19+$0x0], $0xffff;
	[tilespmem:s26+$0x11000] =	vst v24  }
.LBB2_7:
0x189: {  	v23 =	vld [tilespmem:s8+$0x0];
	[tilespmem:s9+$0x100] =	vst v19;
	s0 =	sadd.s32 $0x40, s0  }
0x18a: {  	s10 =	sadd.s32 $0x4, s10;
	s12 =	sand.u32 $0x40, s0;
	[tilespmem:s16+$0x100] =	vst v17;
	v17 =	vld.idx.msk [tilespmem:v22+s19+$0x0], $0xffff  }
0x18b: {  	s4 =	sand.u32 $0x780, s0;
	p1 =	slt.u32 s10, $0x7C;
	s21 =	sor.u32 $0x30, s12;
	v19 =	vld.idx.msk [tilespmem:v21+s19+$0x0], $0xffff;
	[tilespmem:s11+$0x100] =	vst v18  }
0x18c: {  	s1 =	sor.u32 $0x10, s12;
	s22 =	sor.u32 $0x20, s12;
	v18 =	vor.u32 $0x200, v2;
	s17 =	sor.u32 s21, s4;
	v13 =	vld.idx.msk [tilespmem:v13+s19+$0x0], $0xffff;
	[tilespmem:s6+$0x100] =	vst v20  }
0x18d: {  	v21 =	vor.u32 $0x200, v1;
	s18 =	sor.u32 s1, s4;
	s4 =	sor.u32 s22, s4;
	v20 =	vld [tilespmem:s17+$0x0];
	[tilespmem:s20+$0x11000] =	vst v14  }
0x18e: {  	v14 =	vld [tilespmem:s18+$0x0];
	[tilespmem:s14+$0x11000] =	vst v15  }
0x18f: {  	v15 =	vshll.u32 v23, $0x3;
	v22 =	vld [tilespmem:s4+$0x0];
	[tilespmem:s13+$0x11000] =	vst v16  }
0x190: {  	v16 =	vand.u32 $0x7F, v23;
	v15 =	vand.u32 $0xFFFFFC00, v15;
	v12 =	vld.idx.msk [tilespmem:v12+s19+$0x0], $0xffff;
	[tilespmem:s9+$0x180] =	vst v17;
	v17 =	vor.u32 $0x380, v0;
	v0 =	vmovc v1  }
0x191: {  	p0 =	por !p0, !p0;
	s4 =	simm.s32 $0x1;
	v1 =	vor.u32 v16, v15;
	[tilespmem:s16+$0x180] =	vst v19;
	v15 =	vld.idx.msk [tilespmem:v18+s19+$0x0], $0xffff  }
0x192: {  	s4 =	simm.s32 @!p0 $0x0;
	v16 =	vshll.u32 v20, $0x3;
	v18 =	vld.idx.msk [tilespmem:v21+s19+$0x0], $0xffff;
	[tilespmem:s11+$0x180] =	vst v13  }
0x193: {  	s4 =	sshll.u32 s4, $0x6;
	v13 =	vand.u32 $0x7F, v20;
	v16 =	vand.u32 $0xFFFFFC00, v16;
	v19 =	vld.idx.msk [tilespmem:v11+s19+$0x0], $0xffff;
	v11 =	vor.u32 $0x280, v2  }
0x194: {  	s9 =	sadd.s32 s4, s2;
	v20 =	vshll.u32 v14, $0x3;
	v21 =	vshll.u32 v22, $0x3;
	v16 =	vor.u32 v13, v16;
	v23 =	vld.idx.msk [tilespmem:v3+s19+$0x0], $0xffff;
	v3 =	vmovc v10  }
0x195: {  	s11 =	sadd.s32 $0x10, s9;
	s16 =	sadd.s32 $0x20, s9;
	s4 =	sadd.s32 $0x30, s9;
	v10 =	vand.u32 $0x7F, v14;
	v13 =	vand.u32 $0xFFFFFC00, v20;
	v14 =	vand.u32 $0xFFFFFC00, v21;
	v17 =	vld.idx.msk [tilespmem:v17+s19+$0x0], $0xffff  }
0x196: {  	s13 =	sor.u32 $0x200, s11;
	s14 =	sor.u32 $0x200, s4;
	v10 =	vor.u32 v10, v13;
	v13 =	vand.u32 $0x7F, v22;
	v21 =	vor.u32 $0x280, v0;
	v20 =	vld.idx.msk [tilespmem:v1+s19+$0x0], $0xffff;
	[tilespmem:s6+$0x180] =	vst v12;
	s6 =	sor.u32 $0x200, s16  }
0x197: {  	s17 =	sor.u32 $0x200, s9;
	s24 =	sor.u32 $0x280, s11;
	s23 =	sor.u32 $0x280, s16;
	v22 =	vor.u32 $0x80, v10;
	v24 =	vor.u32 $0x100, v10;
	v14 =	vor.u32 v13, v14;
	v25 =	vld.idx.msk [tilespmem:v9+s19+$0x0], $0xffff;
	[tilespmem:s14+$0x11000] =	vst v15  }
0x198: {  	s18 =	sor.u32 $0x280, s9;
	s20 =	sor.u32 $0x300, s16;
	v13 =	vor.u32 $0x180, v10;
	v15 =	vor.u32 $0x80, v14;
	v26 =	vor.u32 $0x100, v14;
	[tilespmem:s17+$0x11000] =	vst v18;
	s17 =	sor.u32 $0x300, s11;
	v18 =	vld.idx.msk [tilespmem:v11+s19+$0x0], $0xffff  }
0x199: {  	v12 =	vor.u32 $0x180, v14;
	v9 =	vor.u32 $0x200, v14;
	s14 =	sor.u32 $0x300, s9;
	v11 =	vor.u32 $0x200, v10;
	v27 =	vld.idx.msk [tilespmem:v16+s19+$0x0], $0xffff;
	[tilespmem:s13+$0x11000] =	vst v19;
	s13 =	sor.u32 $0x380, s11;
	s11 =	sor.u32 $0x380, s16  }
0x19a: {  	v29 =	vor.u32 $0x300, v2;
	s9 =	sor.u32 $0x380, s9;
	v19 =	vor.u32 $0x280, v14;
	v28 =	vld.idx.msk [tilespmem:v8+s19+$0x0], $0xffff;
	v8 =	vor.u32 $0x280, v10;
	[tilespmem:s7+$0x11000] =	vst v23;
	s7 =	smov.u32 s11  }
0x19b: {  	s2 =	sadd.s32 $0x200, s2;
	v32 =	vor.u32 $0x80, v16;
	v30 =	vor.u32 $0x300, v10;
	v31 =	vor.u32 $0x300, v14;
	v23 =	vld.idx.msk [tilespmem:v10+s19+$0x0], $0xffff;
	[tilespmem:s3+$0x11000] =	vst v17;
	s3 =	smov.u32 s9  }
0x19c: {  	v33 =	vor.u32 $0x380, v10;
	s9 =	sand.u32 $0x3C00, s2;
	v17 =	vor.u32 $0x80, v1;
	v10 =	vor.u32 $0x380, v14;
	v34 =	vld.idx.msk [tilespmem:v14+s19+$0x0], $0xffff  }
0x19d: {  	s25 =	sadd.s32 $0x11000, s9;
	v35 =	vld.idx.msk [tilespmem:v21+s19+$0x0], $0xffff;
	[tilespmem:s6+$0x11000] =	vst v25;
	s6 =	sor.u32 $0x280, s4  }
0x19e: {  	s16 =	sor.u32 s12, s25;
	s11 =	sor.u32 s1, s25;
	s9 =	sor.u32 s21, s25;
	v14 =	vld.idx.msk [tilespmem:v7+s19+$0x0], $0xffff;
	[tilespmem:s6+$0x11000] =	vst v18;
	v7 =	vmov v19  }
0x19f: {  	s6 =	sor.u32 s22, s25;
	[tilespmem:s9+$0x0] =	vst v27;
	v18 =	vld.idx.msk [tilespmem:v29+s19+$0x0], $0xffff  }
0x1a0: {  	[tilespmem:s16+$0x0] =	vst v20;
	v19 =	vld.idx.msk [tilespmem:v32+s19+$0x0], $0xffff  }
0x1a1: {  	v20 =	vor.u32 $0x380, v2;
	v2 =	vmov v16;
	v17 =	vld.idx.msk [tilespmem:v17+s19+$0x0], $0xffff;
	[tilespmem:s11+$0x0] =	vst v23  }
0x1a2: {  	v21 =	vor.u32 $0x100, v2;
	v16 =	vld.idx.msk [tilespmem:v22+s19+$0x0], $0xffff;
	[tilespmem:s6+$0x0] =	vst v34  }
0x1a3: {  	v22 =	vor.u32 $0x100, v1;
	v15 =	vld.idx.msk [tilespmem:v15+s19+$0x0], $0xffff;
	[tilespmem:s24+$0x11000] =	vst v28  }
0x1a4: {  	s1 =	sor.u32 $0x300, s4;
	v23 =	vld.idx.msk [tilespmem:v6+s19+$0x0], $0xffff;
	[tilespmem:s23+$0x11000] =	vst v14;
	v6 =	vmov v30  }
0x1a5: {  	v14 =	vld.idx.msk [tilespmem:v5+s19+$0x0], $0xffff;
	[tilespmem:s1+$0x11000] =	vst v18;
	v5 =	vmov v31  }
0x1a6: {  	v25 =	vor.u32 $0x300, v0;
	[tilespmem:s9+$0x80] =	vst v19;
	v27 =	vld.idx.msk [tilespmem:v20+s19+$0x0], $0xffff  }
0x1a7: {  	[tilespmem:s16+$0x80] =	vst v17;
	v19 =	vld.idx.msk [tilespmem:v21+s19+$0x0], $0xffff  }
.Ltmp2:
0x1a8: {  	v17 =	vld.idx.msk [tilespmem:v22+s19+$0x0], $0xffff;
	[tilespmem:s11+$0x80] =	vst v16;
	(pc) =	sbr.rel @p1 .LBB2_7-.Ltmp2, $4  }
0x1a9: {  	v22 =	vor.u32 $0x180, v2;
	v18 =	vld.idx.msk [tilespmem:v24+s19+$0x0], $0xffff;
	[tilespmem:s6+$0x80] =	vst v15  }
0x1aa: {  	v21 =	vor.u32 $0x180, v1;
	v20 =	vld.idx.msk [tilespmem:v26+s19+$0x0], $0xffff;
	[tilespmem:s18+$0x11000] =	vst v35  }
0x1ab: {  	s1 =	sor.u32 $0x380, s4;
	v15 =	vld.idx.msk [tilespmem:v25+s19+$0x0], $0xffff;
	[tilespmem:s17+$0x11000] =	vst v23  }
0x1ac: {  	s8 =	sadd.s32 $0x40, s8;
	v16 =	vld.idx.msk [tilespmem:v4+s19+$0x0], $0xffff;
	[tilespmem:s1+$0x11000] =	vst v27;
	v4 =	vmov v33  }
0x1ad: {  	_ =	sdelay $0x2  }
0x1ae: {  	[tilespmem:s9+$0x100] =	vst v19  }
0x1af: {  	v19 =	vld.idx.msk [tilespmem:v22+s19+$0x0], $0xffff;
	[tilespmem:s11+$0x100] =	vst v18  }
0x1b0: {  	[tilespmem:s16+$0x100] =	vst v17;
	v18 =	vor.u32 $0x200, v2;
	v13 =	vld.idx.msk [tilespmem:v13+s19+$0x0], $0xffff  }
0x1b1: {  	v17 =	vld.idx.msk [tilespmem:v21+s19+$0x0], $0xffff;
	[tilespmem:s6+$0x100] =	vst v20  }
0x1b2: {  	v61 =	vor.u32 $0x200, v1;
	v12 =	vld.idx.msk [tilespmem:v12+s19+$0x0], $0xffff;
	_ =	sdelay $0x1  }
0x1b3: {  	p0 =	por !p0, !p0;
	s0 =	simm.s32 $0x1;
	[tilespmem:s9+$0x180] =	vst v19  }
0x1b4: {  	s0 =	simm.s32 @!p0 $0x0;
	v18 =	vld.idx.msk [tilespmem:v18+s19+$0x0], $0xffff;
	[tilespmem:s11+$0x180] =	vst v13  }
0x1b5: {  	s0 =	sshll.u32 s0, $0x6;
	[tilespmem:s16+$0x180] =	vst v17;
	v13 =	vor.u32 $0x280, v2;
	v11 =	vld.idx.msk [tilespmem:v11+s19+$0x0], $0xffff  }
0x1b6: {  	s0 =	sadd.s32 s0, s2;
	[tilespmem:s6+$0x180] =	vst v12;
	v12 =	vld.idx.msk [tilespmem:v61+s19+$0x0], $0xffff  }
0x1b7: {  	s1 =	sadd.s32 $0x30, s0;
	v17 =	vor.u32 $0x280, v1;
	v9 =	vld.idx.msk [tilespmem:v9+s19+$0x0], $0xffff  }
0x1b8: {  	s2 =	sadd.s32 $0x10, s0;
	s4 =	sor.u32 $0x200, s1  }
0x1b9: {  	s8 =	sor.u32 $0x200, s2;
	[tilespmem:s4+$0x11000] =	vst v18  }
0x1ba: {  	s12 =	sadd.s32 $0x20, s0;
	s17 =	sor.u32 $0x200, s0;
	v13 =	vld.idx.msk [tilespmem:v13+s19+$0x0], $0xffff;
	[tilespmem:s8+$0x11000] =	vst v11  }
0x1bb: {  	s16 =	sor.u32 $0x200, s12;
	v11 =	vor.u32 $0x300, v2;
	[tilespmem:s17+$0x11000] =	vst v12;
	v8 =	vld.idx.msk [tilespmem:v8+s19+$0x0], $0xffff  }
0x1bc: {  	[tilespmem:s16+$0x11000] =	vst v9;
	v9 =	vld.idx.msk [tilespmem:v17+s19+$0x0], $0xffff  }
0x1bd: {  	v12 =	vor.u32 $0x300, v1;
	v7 =	vld.idx.msk [tilespmem:v7+s19+$0x0], $0xffff  }
0x1be: {  	[tilespmem:s20+$0x11000] =	vst v14;
	s18 =	sor.u32 $0x280, s1  }
0x1bf: {  	s20 =	sor.u32 $0x280, s2;
	[tilespmem:s18+$0x11000] =	vst v13  }
0x1c0: {  	v0 =	vor.u32 $0x380, v0;
	s22 =	sor.u32 $0x280, s0;
	v11 =	vld.idx.msk [tilespmem:v11+s19+$0x0], $0xffff;
	[tilespmem:s20+$0x11000] =	vst v8  }
0x1c1: {  	s21 =	sor.u32 $0x280, s12;
	v2 =	vor.u32 $0x380, v2;
	[tilespmem:s22+$0x11000] =	vst v9;
	v6 =	vld.idx.msk [tilespmem:v6+s19+$0x0], $0xffff  }
0x1c2: {  	[tilespmem:s21+$0x11000] =	vst v7;
	v7 =	vld.idx.msk [tilespmem:v12+s19+$0x0], $0xffff  }
0x1c3: {  	[tilespmem:s14+$0x11000] =	vst v15;
	v1 =	vor.u32 $0x380, v1;
	v5 =	vld.idx.msk [tilespmem:v5+s19+$0x0], $0xffff  }
0x1c4: {  	v3 =	vld.idx.msk [tilespmem:v3+s19+$0x0], $0xffff;
	[tilespmem:s13+$0x11000] =	vst v16;
	s23 =	sor.u32 $0x300, s1  }
0x1c5: {  	v0 =	vld.idx.msk [tilespmem:v0+s19+$0x0], $0xffff;
	s24 =	sor.u32 $0x300, s2;
	[tilespmem:s23+$0x11000] =	vst v11  }
0x1c6: {  	s26 =	sor.u32 $0x300, s0;
	v2 =	vld.idx.msk [tilespmem:v2+s19+$0x0], $0xffff;
	[tilespmem:s24+$0x11000] =	vst v6  }
0x1c7: {  	s25 =	sor.u32 $0x300, s12;
	[tilespmem:s26+$0x11000] =	vst v7;
	v4 =	vld.idx.msk [tilespmem:v4+s19+$0x0], $0xffff  }
0x1c8: {  	[tilespmem:s25+$0x11000] =	vst v5;
	v1 =	vld.idx.msk [tilespmem:v1+s19+$0x0], $0xffff  }
0x1c9: {  	[tilespmem:s7+$0x11000] =	vst v3;
	v5 =	vld.idx.msk [tilespmem:v10+s19+$0x0], $0xffff  }
0x1ca: {  	s1 =	sor.u32 $0x380, s1;
	[tilespmem:s3+$0x11000] =	vst v0  }
0x1cb: {  	s2 =	sor.u32 $0x380, s2;
	[tilespmem:s1+$0x11000] =	vst v2  }
0x1cc: {  	s0 =	sor.u32 $0x380, s0;
	[tilespmem:s2+$0x11000] =	vst v4  }
0x1cd: {  	s10 =	simm.s32 $0x0;
	s9 =	rddreg [dreg:$0x2];
	s8 =	sor.u32 $0x380, s12;
	[tilespmem:s0+$0x11000] =	vst v1  }
0x1ce: {  	s11 =	simm.s32 $0x11000;
	s12 =	simm.s32 $0x6;
	s0 =	sadd.s32 s9, s31;
	[tilespmem:s8+$0x11000] =	vst v5  }
0x1cf: {  	[hbm4b:s0+s10] =	stream.linear.scatter [tilespmem:s11], [sflag:$0x5], $0x4000, $0x38;
	[tilespmem:$0x19000] =	vst v63  }
0x1d0: {  	_ =	swait.ge [sflag:s12], $0x4000  }
0x1d1: {  	[sflag:s12] =	ssyncset.done $0x0  }
0x1d2: {  	s13 =	sand.u32 $0x7C0, s10;
	[sflag:s12] =	ssyncadd.s32 $0xFFFFC000  }
0x1d3: {  	v0 =	vld [tilespmem:s13+$0x800];
	_ =	sdelay $0x4  }
0x1d4: {  	s14 =	simm.s32 $0x830;
	v1 =	vshll.u32 v0, $0x3  }
0x1d5: {  	v2 =	vld [tilespmem:s14+$0xFFFFFFE0];
	v0 =	vand.u32 $0x7F, v0;
	v1 =	vand.u32 $0xFFFFFC00, v1  }
0x1d6: {  	v8 =	vor.u32 v0, v1  }
0x1d7: {  	v0 =	vld [tilespmem:s14+$0xFFFFFFF0]  }
0x1d8: {  	v3 =	vld [tilespmem:s14+$0x0];
	_ =	sdelay $0x1  }
0x1d9: {  	v1 =	vshll.u32 v2, $0x3  }
0x1da: {  	v2 =	vand.u32 $0x7F, v2;
	v1 =	vand.u32 $0xFFFFFC00, v1;
	v4 =	vld.idx.msk [tilespmem:v8+s19+$0x0], $0xffff  }
0x1db: {  	v5 =	vor.u32 $0x80, v8;
	v2 =	vor.u32 v2, v1;
	v1 =	vshll.u32 v0, $0x3  }
0x1dc: {  	v6 =	vshll.u32 v3, $0x3;
	v0 =	vand.u32 $0x7F, v0;
	v1 =	vand.u32 $0xFFFFFC00, v1  }
0x1dd: {  	s16 =	sand.u32 $0x40, s10;
	s1 =	sand.u32 $0x3C00, s10;
	v1 =	vor.u32 v0, v1;
	v0 =	vand.u32 $0x7F, v3;
	v3 =	vand.u32 $0xFFFFFC00, v6  }
0x1de: {  	s0 =	sor.u32 s16, s1;
	v0 =	vor.u32 v0, v3  }
0x1df: {  	[tilespmem:s0+$0x15000] =	vst v4  }
0x1e0: {  	v3 =	vld.idx.msk [tilespmem:v5+s19+$0x0], $0xffff  }
0x1e1: {  	v4 =	vor.u32 $0x100, v8;
	v5 =	vld.idx.msk [tilespmem:v2+s19+$0x0], $0xffff  }
0x1e2: {  	v7 =	vor.u32 $0x80, v2;
	v6 =	vld.idx.msk [tilespmem:v1+s19+$0x0], $0xffff  }
0x1e3: {  	v10 =	vor.u32 $0x80, v1;
	v9 =	vld.idx.msk [tilespmem:v0+s19+$0x0], $0xffff  }
0x1e4: {  	v11 =	vor.u32 $0x80, v0;
	s0 =	sadd.s32 $0x15000, s0  }
0x1e5: {  	[tilespmem:s0+$0x80] =	vst v3  }
0x1e6: {  	[tilespmem:s0+$0x10] =	vst v5;
	v3 =	vld.idx.msk [tilespmem:v4+s19+$0x0], $0xffff  }
0x1e7: {  	v5 =	vor.u32 $0x180, v8;
	v7 =	vld.idx.msk [tilespmem:v7+s19+$0x0], $0xffff;
	[tilespmem:s0+$0x20] =	vst v6  }
0x1e8: {  	v6 =	vld.idx.msk [tilespmem:v10+s19+$0x0], $0xffff;
	[tilespmem:s0+$0x30] =	vst v9;
	v9 =	vor.u32 $0x100, v2  }
0x1e9: {  	s17 =	simm.s32 $0x870;
	v10 =	vld.idx.msk [tilespmem:v11+s19+$0x0], $0xffff  }
0x1ea: {  	v12 =	vld [tilespmem:s17+$0xFFFFFFF0];
	v11 =	vor.u32 $0x100, v1  }
0x1eb: {  	v4 =	vld [tilespmem:s17+$0xFFFFFFE0];
	[tilespmem:s0+$0x100] =	vst v3;
	v3 =	vor.u32 $0x100, v0  }
0x1ec: {  	s3 =	simm.s32 $0x40;
	[tilespmem:s0+$0x90] =	vst v7;
	v5 =	vld.idx.msk [tilespmem:v5+s19+$0x0], $0xffff  }
0x1ed: {  	s18 =	sand.u32 $0x7C0, s3;
	v7 =	vor.u32 $0x200, v8;
	v9 =	vld.idx.msk [tilespmem:v9+s19+$0x0], $0xffff;
	[tilespmem:s0+$0xA0] =	vst v6  }
0x1ee: {  	v13 =	vld [tilespmem:s18+$0x800];
	[tilespmem:s0+$0xB0] =	vst v10;
	v10 =	vor.u32 $0x180, v2  }
0x1ef: {  	v6 =	vld.idx.msk [tilespmem:v11+s19+$0x0], $0xffff  }
0x1f0: {  	v11 =	vor.u32 $0x180, v1;
	v14 =	vld.idx.msk [tilespmem:v3+s19+$0x0], $0xffff;
	v3 =	vshll.u32 v4, $0x3  }
0x1f1: {  	v15 =	vld [tilespmem:s17+$0x0];
	v4 =	vand.u32 $0x7F, v4;
	[tilespmem:s0+$0x180] =	vst v5;
	v5 =	vor.u32 $0x180, v0;
	v3 =	vand.u32 $0xFFFFFC00, v3  }
0x1f2: {  	p0 =	por $0x0, $0x0;
	s1 =	simm.s32 $0x1;
	[tilespmem:s0+$0x110] =	vst v9;
	v16 =	vld.idx.msk [tilespmem:v7+s19+$0x0], $0xffff;
	v4 =	vor.u32 v4, v3  }
0x1f3: {  	s1 =	simm.s32 @!p0 $0x0;
	v9 =	vor.u32 $0x280, v8;
	v7 =	vshll.u32 v13, $0x3;
	v10 =	vld.idx.msk [tilespmem:v10+s19+$0x0], $0xffff  }
0x1f4: {  	s1 =	sshll.u32 s1, $0x6;
	v3 =	vand.u32 $0x7F, v13;
	[tilespmem:s0+$0x120] =	vst v6;
	v13 =	vor.u32 $0x200, v2;
	v7 =	vand.u32 $0xFFFFFC00, v7  }
0x1f5: {  	s14 =	sadd.s32 $0x0, s1;
	v11 =	vld.idx.msk [tilespmem:v11+s19+$0x0], $0xffff;
	v3 =	vor.u32 v3, v7;
	[tilespmem:s0+$0x130] =	vst v14  }
0x1f6: {  	s1 =	sor.u32 $0x200, s14;
	v6 =	vshll.u32 v12, $0x3;
	v14 =	vld.idx.msk [tilespmem:v5+s19+$0x0], $0xffff;
	v5 =	vand.u32 $0x7F, v12;
	v12 =	vor.u32 $0x200, v1  }
0x1f7: {  	v17 =	vshll.u32 v15, $0x3;
	v6 =	vand.u32 $0xFFFFFC00, v6;
	v7 =	vld.idx.msk [tilespmem:v4+s19+$0x0], $0xffff;
	[tilespmem:s1+$0x15000] =	vst v16;
	v16 =	vor.u32 $0x200, v0  }
0x1f8: {  	v6 =	vor.u32 v5, v6;
	v5 =	vand.u32 $0x7F, v15;
	v15 =	vand.u32 $0xFFFFFC00, v17;
	[tilespmem:s0+$0x190] =	vst v10;
	v17 =	vld.idx.msk [tilespmem:v9+s19+$0x0], $0xffff  }
0x1f9: {  	v5 =	vor.u32 v5, v15;
	v18 =	vld.idx.msk [tilespmem:v13+s19+$0x0], $0xffff  }
0x1fa: {  	[tilespmem:s0+$0x1A0] =	vst v11;
	v11 =	vor.u32 $0x300, v8;
	v10 =	vld.idx.msk [tilespmem:v3+s19+$0x0], $0xffff  }
0x1fb: {  	v15 =	vor.u32 $0x80, v3;
	v19 =	vld.idx.msk [tilespmem:v12+s19+$0x0], $0xffff;
	[tilespmem:s0+$0x1B0] =	vst v14  }
0x1fc: {  	s7 =	simm.s32 $0x200;
	v14 =	vor.u32 $0x280, v2;
	v16 =	vld.idx.msk [tilespmem:v16+s19+$0x0], $0xffff  }
0x1fd: {  	s20 =	sand.u32 $0x40, s3;
	s21 =	sand.u32 $0x3C00, s7;
	s22 =	sor.u32 $0x280, s14;
	v62 =	vor.u32 $0x280, v1;
	v9 =	vld.idx.msk [tilespmem:v6+s19+$0x0], $0xffff  }
0x1fe: {  	s6 =	simm.s32 $0x4;
	s23 =	sadd.s32 $0x10, s14;
	v63 =	vor.u32 $0x280, v0;
	s1 =	sor.u32 s20, s21;
	v12 =	vld.idx.msk [tilespmem:v5+s19+$0x0], $0xffff;
	[tilespmem:s22+$0x15000] =	vst v17  }
0x1ff: {  	s11 =	simm.s32 $0x8B0;
	s24 =	sadd.s32 $0x20, s14;
	s25 =	sor.u32 $0x200, s23;
	[tilespmem:s1+$0x15000] =	vst v10;
	v13 =	vld.idx.msk [tilespmem:v11+s19+$0x0], $0xffff  }
0x200: {  	s26 =	sor.u32 $0x200, s24;
	s12 =	sor.u32 $0x280, s24;
	s17 =	sadd.s32 $0x30, s14;
	[tilespmem:s25+$0x15000] =	vst v18;
	v15 =	vld.idx.msk [tilespmem:v15+s19+$0x0], $0xffff  }
0x201: {  	s8 =	sor.u32 $0x300, s23;
	s16 =	sor.u32 $0x300, s24;
	s31 =	sor.u32 $0x200, s17;
	v10 =	vld.idx.msk [tilespmem:v14+s19+$0x0], $0xffff;
	[tilespmem:s26+$0x15000] =	vst v19;
	v14 =	vor.u32 $0x380, v8  }
0x202: {  	s10 =	sor.u32 $0x380, s23;
	s9 =	sor.u32 $0x280, s17;
	s13 =	sor.u32 $0x300, s17;
	v11 =	vld.idx.msk [tilespmem:v62+s19+$0x0], $0xffff;
	[tilespmem:s31+$0x15000] =	vst v16;
	v16 =	vor.u32 $0x100, v3  }
0x203: {  	s2 =	sor.u32 $0x380, s17;
	s20 =	sor.u32 $0x280, s23;
	s0 =	sor.u32 $0x380, s24;
	v17 =	vor.u32 $0x80, v4;
	v8 =	vld.idx.msk [tilespmem:v63+s19+$0x0], $0xffff  }
.LBB2_9:
0x204: {  	v18 =	vld [tilespmem:s11+$0xFFFFFFE0];
	v19 =	vor.u32 $0x80, v6;
	s4 =	sor.u32 $0x300, s14  }
0x205: {  	s21 =	sadd.s32 $0x15000, s1;
	v21 =	vor.u32 $0x80, v5;
	v20 =	vld [tilespmem:s11+$0xFFFFFFF0];
	[tilespmem:s4+$0x15000] =	vst v13  }
0x206: {  	[tilespmem:s21+$0x80] =	vst v15;
	v13 =	vld.idx.msk [tilespmem:v14+s19+$0x0], $0xffff;
	v14 =	vor.u32 $0x300, v2  }
0x207: {  	v15 =	vld.idx.msk [tilespmem:v16+s19+$0x0], $0xffff;
	[tilespmem:s21+$0x10] =	vst v7;
	v7 =	vor.u32 $0x300, v1  }
0x208: {  	v16 =	vld.idx.msk [tilespmem:v17+s19+$0x0], $0xffff;
	[tilespmem:s21+$0x20] =	vst v9  }
0x209: {  	v9 =	vor.u32 $0x180, v3;
	v17 =	vld.idx.msk [tilespmem:v19+s19+$0x0], $0xffff;
	[tilespmem:s21+$0x30] =	vst v12  }
0x20a: {  	v12 =	vor.u32 $0x100, v4;
	v19 =	vld.idx.msk [tilespmem:v21+s19+$0x0], $0xffff;
	[tilespmem:s20+$0x15000] =	vst v10  }
0x20b: {  	s1 =	sor.u32 $0x380, s14;
	v10 =	vor.u32 $0x100, v6;
	v14 =	vld.idx.msk [tilespmem:v14+s19+$0x0], $0xffff;
	[tilespmem:s12+$0x15000] =	vst v11  }
0x20c: {  	[tilespmem:s1+$0x15000] =	vst v13;
	v7 =	vld.idx.msk [tilespmem:v7+s19+$0x0], $0xffff  }
0x20d: {  	v13 =	vor.u32 $0x100, v5;
	v11 =	vld [tilespmem:s11+$0x0];
	[tilespmem:s21+$0x100] =	vst v15  }
0x20e: {  	v15 =	vor.u32 $0x300, v0;
	v9 =	vld.idx.msk [tilespmem:v9+s19+$0x0], $0xffff;
	[tilespmem:s21+$0x90] =	vst v16  }
0x20f: {  	s3 =	sadd.s32 $0x40, s3;
	v16 =	vor.u32 $0x380, v2;
	v2 =	vmov v4;
	v12 =	vld.idx.msk [tilespmem:v12+s19+$0x0], $0xffff;
	[tilespmem:s21+$0xA0] =	vst v17  }
0x210: {  	s6 =	sadd.s32 $0x4, s6;
	s1 =	sand.u32 $0x7C0, s3;
	v4 =	vor.u32 $0x200, v3;
	v10 =	vld.idx.msk [tilespmem:v10+s19+$0x0], $0xffff;
	[tilespmem:s21+$0xB0] =	vst v19  }
0x211: {  	p1 =	slt.u32 s6, $0x7C;
	v19 =	vor.u32 $0x180, v2;
	v17 =	vld [tilespmem:s1+$0x800];
	[tilespmem:s9+$0x15000] =	vst v8  }
0x212: {  	v8 =	vor.u32 $0x180, v6;
	v13 =	vld.idx.msk [tilespmem:v13+s19+$0x0], $0xffff;
	[tilespmem:s8+$0x15000] =	vst v14  }
0x213: {  	[tilespmem:s16+$0x15000] =	vst v7;
	v7 =	vor.u32 $0x380, v1;
	v14 =	vld.idx.msk [tilespmem:v15+s19+$0x0], $0xffff;
	v1 =	vmov v6  }
0x214: {  	v6 =	vshll.u32 v18, $0x3;
	[tilespmem:s21+$0x180] =	vst v9;
	v9 =	vor.u32 $0x180, v5;
	v15 =	vld.idx.msk [tilespmem:v16+s19+$0x0], $0xffff  }
0x215: {  	v16 =	vand.u32 $0x7F, v18;
	v6 =	vand.u32 $0xFFFFFC00, v6;
	v18 =	vld.idx.msk [tilespmem:v4+s19+$0x0], $0xffff;
	[tilespmem:s21+$0x110] =	vst v12;
	v12 =	vor.u32 $0x380, v0;
	v0 =	vmovc v5  }
0x216: {  	p0 =	por !p0, !p0;
	s1 =	simm.s32 $0x1;
	v4 =	vor.u32 v16, v6;
	v5 =	vshll.u32 v17, $0x3;
	v16 =	vld.idx.msk [tilespmem:v19+s19+$0x0], $0xffff;
	[tilespmem:s21+$0x120] =	vst v10  }
0x217: {  	s1 =	simm.s32 @!p0 $0x0;
	v6 =	vand.u32 $0x7F, v17;
	v10 =	vor.u32 $0x280, v3;
	v5 =	vand.u32 $0xFFFFFC00, v5;
	v8 =	vld.idx.msk [tilespmem:v8+s19+$0x0], $0xffff  }
0x218: {  	s1 =	sshll.u32 s1, $0x6;
	v17 =	vor.u32 v6, v5;
	[tilespmem:s21+$0x130] =	vst v13;
	v13 =	vld.idx.msk [tilespmem:v7+s19+$0x0], $0xffff  }
0x219: {  	s14 =	sadd.s32 s1, s7;
	v19 =	vor.u32 $0x200, v2;
	v9 =	vld.idx.msk [tilespmem:v9+s19+$0x0], $0xffff;
	[tilespmem:s13+$0x15000] =	vst v14  }
0x21a: {  	s1 =	sor.u32 $0x200, s14;
	s4 =	sadd.s32 $0x10, s14;
	s17 =	sadd.s32 $0x20, s14;
	v5 =	vand.u32 $0x7F, v20;
	v6 =	vshll.u32 v20, $0x3;
	v14 =	vor.u32 $0x200, v1;
	[tilespmem:s10+$0x15000] =	vst v15;
	v12 =	vld.idx.msk [tilespmem:v12+s19+$0x0], $0xffff  }
0x21b: {  	s18 =	sor.u32 $0x200, s4;
	s22 =	sor.u32 $0x200, s17;
	v6 =	vand.u32 $0xFFFFFC00, v6;
	v15 =	vshll.u32 v11, $0x3;
	v7 =	vld.idx.msk [tilespmem:v4+s19+$0x0], $0xffff;
	[tilespmem:s1+$0x15000] =	vst v18;
	v18 =	vor.u32 $0x200, v0;
	s1 =	sadd.s32 $0x30, s14  }
0x21c: {  	s20 =	sor.u32 $0x280, s4;
	s12 =	sor.u32 $0x280, s17;
	v6 =	vor.u32 v5, v6;
	v5 =	vand.u32 $0x7F, v11;
	v11 =	vand.u32 $0xFFFFFC00, v15;
	v10 =	vld.idx.msk [tilespmem:v10+s19+$0x0], $0xffff;
	[tilespmem:s21+$0x190] =	vst v16;
	s23 =	sor.u32 $0x200, s1  }
0x21d: {  	s8 =	sor.u32 $0x300, s4;
	s16 =	sor.u32 $0x300, s17;
	v5 =	vor.u32 v5, v11;
	s9 =	sor.u32 $0x280, s1;
	v15 =	vld.idx.msk [tilespmem:v17+s19+$0x0], $0xffff;
	[tilespmem:s21+$0x1A0] =	vst v8  }
0x21e: {  	s10 =	sor.u32 $0x380, s4;
	s13 =	sor.u32 $0x300, s1;
	v8 =	vor.u32 $0x300, v3;
	v11 =	vld.idx.msk [tilespmem:v19+s19+$0x0], $0xffff;
	[tilespmem:s0+$0x15000] =	vst v13;
	s0 =	sor.u32 $0x380, s17  }
0x21f: {  	v16 =	vor.u32 $0x80, v17;
	s1 =	sor.u32 $0x380, s1;
	v19 =	vld.idx.msk [tilespmem:v14+s19+$0x0], $0xffff;
	[tilespmem:s21+$0x1B0] =	vst v9  }
0x220: {  	s7 =	sadd.s32 $0x200, s7;
	v20 =	vor.u32 $0x280, v2;
	v18 =	vld.idx.msk [tilespmem:v18+s19+$0x0], $0xffff;
	[tilespmem:s2+$0x15000] =	vst v12;
	s2 =	smov.u32 s1  }
0x221: {  	v21 =	vor.u32 $0x280, v1;
	s4 =	sand.u32 $0x3C00, s7;
	s17 =	sor.u32 $0x280, s14;
	s1 =	sand.u32 $0x40, s3;
	v9 =	vld.idx.msk [tilespmem:v6+s19+$0x0], $0xffff  }
0x222: {  	v22 =	vor.u32 $0x280, v0;
	s1 =	sor.u32 s1, s4;
	v12 =	vld.idx.msk [tilespmem:v5+s19+$0x0], $0xffff;
	[tilespmem:s17+$0x15000] =	vst v10  }
.Ltmp3:
0x223: {  	[tilespmem:s1+$0x15000] =	vst v15;
	v13 =	vld.idx.msk [tilespmem:v8+s19+$0x0], $0xffff;
	(pc) =	sbr.rel @p1 .LBB2_9-.Ltmp3, $4  }
0x224: {  	v15 =	vld.idx.msk [tilespmem:v16+s19+$0x0], $0xffff;
	[tilespmem:s18+$0x15000] =	vst v11  }
0x225: {  	v14 =	vor.u32 $0x380, v3;
	v3 =	vmov v17;
	v10 =	vld.idx.msk [tilespmem:v20+s19+$0x0], $0xffff;
	[tilespmem:s22+$0x15000] =	vst v19  }
0x226: {  	v16 =	vor.u32 $0x100, v3;
	v11 =	vld.idx.msk [tilespmem:v21+s19+$0x0], $0xffff;
	[tilespmem:s23+$0x15000] =	vst v18  }
0x227: {  	s11 =	sadd.s32 $0x40, s11;
	v17 =	vor.u32 $0x80, v4;
	v8 =	vld.idx.msk [tilespmem:v22+s19+$0x0], $0xffff  }
0x228: {  	v18 =	vor.u32 $0x80, v6  }
0x229: {  	v19 =	vor.u32 $0x80, v5  }
0x22a: {  	s1 =	sadd.s32 $0x15000, s1  }
0x22b: {  	[tilespmem:s1+$0x10] =	vst v7  }
0x22c: {  	[tilespmem:s1+$0x20] =	vst v9;
	v7 =	vld.idx.msk [tilespmem:v17+s19+$0x0], $0xffff  }
0x22d: {  	v24 =	vor.u32 $0x100, v4;
	[tilespmem:s1+$0x30] =	vst v12;
	v9 =	vld.idx.msk [tilespmem:v18+s19+$0x0], $0xffff  }
0x22e: {  	v26 =	vor.u32 $0x100, v6;
	v25 =	vld.idx.msk [tilespmem:v19+s19+$0x0], $0xffff  }
0x22f: {  	v27 =	vor.u32 $0x100, v5  }
0x230: {  	[tilespmem:s1+$0x80] =	vst v15  }
0x231: {  	v15 =	vld.idx.msk [tilespmem:v16+s19+$0x0], $0xffff;
	[tilespmem:s1+$0x90] =	vst v7  }
0x232: {  	v28 =	vor.u32 $0x180, v3;
	v12 =	vld.idx.msk [tilespmem:v24+s19+$0x0], $0xffff;
	[tilespmem:s1+$0xA0] =	vst v9  }
0x233: {  	v29 =	vor.u32 $0x180, v4;
	[tilespmem:s1+$0xB0] =	vst v25;
	v9 =	vld.idx.msk [tilespmem:v26+s19+$0x0], $0xffff  }
0x234: {  	s3 =	sor.u32 $0x300, s14;
	v30 =	vor.u32 $0x180, v6;
	v31 =	vld.idx.msk [tilespmem:v27+s19+$0x0], $0xffff  }
0x235: {  	v32 =	vor.u32 $0x180, v5;
	[tilespmem:s3+$0x15000] =	vst v13  }
0x236: {  	[tilespmem:s1+$0x100] =	vst v15  }
0x237: {  	v7 =	vld.idx.msk [tilespmem:v28+s19+$0x0], $0xffff;
	[tilespmem:s1+$0x110] =	vst v12  }
0x238: {  	v33 =	vor.u32 $0x200, v3;
	v34 =	vld.idx.msk [tilespmem:v29+s19+$0x0], $0xffff;
	[tilespmem:s1+$0x120] =	vst v9  }
0x239: {  	v35 =	vor.u32 $0x200, v4;
	[tilespmem:s1+$0x130] =	vst v31;
	v9 =	vld.idx.msk [tilespmem:v30+s19+$0x0], $0xffff  }
0x23a: {  	v37 =	vor.u32 $0x200, v6;
	[tilespmem:s20+$0x15000] =	vst v10;
	v36 =	vld.idx.msk [tilespmem:v32+s19+$0x0], $0xffff  }
0x23b: {  	v38 =	vor.u32 $0x200, v5;
	[tilespmem:s12+$0x15000] =	vst v11  }
0x23c: {  	v39 =	vor.u32 $0x300, v2;
	v14 =	vld.idx.msk [tilespmem:v14+s19+$0x0], $0xffff;
	[tilespmem:s1+$0x180] =	vst v7  }
0x23d: {  	v40 =	vor.u32 $0x300, v1;
	p0 =	por !p0, !p0;
	s3 =	simm.s32 $0x1;
	v12 =	vld.idx.msk [tilespmem:v33+s19+$0x0], $0xffff;
	[tilespmem:s1+$0x190] =	vst v34  }
0x23e: {  	v41 =	vor.u32 $0x280, v3;
	s3 =	simm.s32 @!p0 $0x0;
	v42 =	vld.idx.msk [tilespmem:v35+s19+$0x0], $0xffff;
	[tilespmem:s1+$0x1A0] =	vst v9  }
0x23f: {  	v43 =	vor.u32 $0x280, v4;
	s3 =	sshll.u32 s3, $0x6;
	[tilespmem:s1+$0x1B0] =	vst v36;
	v13 =	vld.idx.msk [tilespmem:v37+s19+$0x0], $0xffff  }
0x240: {  	s4 =	sor.u32 $0x380, s14;
	v44 =	vor.u32 $0x280, v6;
	s22 =	sadd.s32 s3, s7;
	[tilespmem:s9+$0x15000] =	vst v8;
	v11 =	vld.idx.msk [tilespmem:v38+s19+$0x0], $0xffff  }
0x241: {  	v46 =	vor.u32 $0x280, v5;
	v45 =	vld.idx.msk [tilespmem:v39+s19+$0x0], $0xffff;
	s23 =	sor.u32 $0x200, s22;
	s3 =	sadd.s32 $0x10, s22;
	[tilespmem:s4+$0x15000] =	vst v14  }
0x242: {  	v47 =	vor.u32 $0x300, v0;
	s6 =	sadd.s32 $0x20, s22;
	s24 =	sor.u32 $0x200, s3;
	v7 =	vld.idx.msk [tilespmem:v40+s19+$0x0], $0xffff;
	[tilespmem:s23+$0x15000] =	vst v12  }
0x243: {  	v48 =	vor.u32 $0x380, v2;
	s26 =	sadd.s32 $0x30, s22;
	s25 =	sor.u32 $0x200, s6;
	v12 =	vld.idx.msk [tilespmem:v41+s19+$0x0], $0xffff;
	[tilespmem:s24+$0x15000] =	vst v42  }
0x244: {  	v49 =	vor.u32 $0x300, v3;
	s31 =	sor.u32 $0x200, s26;
	v10 =	vld.idx.msk [tilespmem:v43+s19+$0x0], $0xffff;
	[tilespmem:s25+$0x15000] =	vst v13  }
0x245: {  	v50 =	vor.u32 $0x300, v4;
	[tilespmem:s31+$0x15000] =	vst v11;
	v13 =	vld.idx.msk [tilespmem:v44+s19+$0x0], $0xffff  }
0x246: {  	v51 =	vor.u32 $0x300, v6;
	[tilespmem:s8+$0x15000] =	vst v45;
	v8 =	vld.idx.msk [tilespmem:v46+s19+$0x0], $0xffff  }
0x247: {  	v53 =	vor.u32 $0x300, v5;
	v52 =	vld.idx.msk [tilespmem:v47+s19+$0x0], $0xffff;
	s11 =	sor.u32 $0x280, s22;
	[tilespmem:s16+$0x15000] =	vst v7  }
0x248: {  	v55 =	vor.u32 $0x380, v0;
	s12 =	sor.u32 $0x280, s3;
	v2 =	vld.idx.msk [tilespmem:v48+s19+$0x0], $0xffff;
	[tilespmem:s11+$0x15000] =	vst v12  }
0x249: {  	v54 =	vor.u32 $0x380, v1;
	s14 =	sor.u32 $0x280, s6;
	v9 =	vld.idx.msk [tilespmem:v49+s19+$0x0], $0xffff;
	[tilespmem:s12+$0x15000] =	vst v10  }
0x24a: {  	v56 =	vor.u32 $0x380, v3;
	s16 =	sor.u32 $0x280, s26;
	v10 =	vld.idx.msk [tilespmem:v50+s19+$0x0], $0xffff;
	[tilespmem:s14+$0x15000] =	vst v13  }
0x24b: {  	v58 =	vor.u32 $0x380, v4;
	[tilespmem:s16+$0x15000] =	vst v8;
	v57 =	vld.idx.msk [tilespmem:v51+s19+$0x0], $0xffff  }
0x24c: {  	v59 =	vor.u32 $0x380, v6;
	[tilespmem:s13+$0x15000] =	vst v52;
	v60 =	vld.idx.msk [tilespmem:v53+s19+$0x0], $0xffff  }
0x24d: {  	v61 =	vor.u32 $0x380, v5;
	s17 =	sor.u32 $0x300, s22;
	v0 =	vld.idx.msk [tilespmem:v55+s19+$0x0], $0xffff;
	[tilespmem:s10+$0x15000] =	vst v2  }
0x24e: {  	s18 =	sor.u32 $0x300, s3;
	v1 =	vld.idx.msk [tilespmem:v54+s19+$0x0], $0xffff;
	[tilespmem:s17+$0x15000] =	vst v9  }
0x24f: {  	s20 =	sor.u32 $0x300, s6;
	v3 =	vld.idx.msk [tilespmem:v56+s19+$0x0], $0xffff;
	[tilespmem:s18+$0x15000] =	vst v10  }
0x250: {  	s21 =	sor.u32 $0x300, s26;
	v4 =	vld.idx.msk [tilespmem:v58+s19+$0x0], $0xffff;
	[tilespmem:s20+$0x15000] =	vst v57  }
0x251: {  	[tilespmem:s21+$0x15000] =	vst v60;
	v62 =	vld.idx.msk [tilespmem:v59+s19+$0x0], $0xffff  }
0x252: {  	s29 =	sadd.s32 $0x1, s29;
	[tilespmem:s2+$0x15000] =	vst v0;
	v63 =	vld.idx.msk [tilespmem:v61+s19+$0x0], $0xffff  }
0x253: {  	p0 =	sne.s32 s29, $0x10;
	s22 =	sor.u32 $0x380, s22;
	[tilespmem:s0+$0x15000] =	vst v1  }
.Ltmp4:
0x254: {  	s23 =	sor.u32 $0x380, s3;
	[tilespmem:s22+$0x15000] =	vst v3;
	(pc) =	sbr.rel @p0 .LBB2_2-.Ltmp4, $4  }
0x255: {  	s24 =	sor.u32 $0x380, s6;
	[tilespmem:s23+$0x15000] =	vst v4  }
0x256: {  	s25 =	sor.u32 $0x380, s26;
	s26 =	rddreg [dreg:$0x2];
	[tilespmem:s24+$0x15000] =	vst v62  }
0x257: {  	s31 =	simm.s32 $0x15000;
	s0 =	sadd.s32 s26, s30;
	[tilespmem:s25+$0x15000] =	vst v63  }
0x258: {  	[hbm4b:s0+s5] =	stream.linear.scatter [tilespmem:s31], [sflag:$0x6], $0x4000, $0x38;
	[tilespmem:$0x19000] =	vst v63  }
0x259: {  	s0 =	simm.s32 $0x5  }
0x25a: {  	_ =	swait.ge [sflag:s0], $0x4000  }
0x25b: {  	[sflag:s0] =	ssyncset.done $0x0  }
0x25c: {  	s1 =	simm.s32 $0x6;
	[sflag:s0] =	ssyncadd.s32 $0xFFFFC000  }
0x25d: {  	_ =	swait.ge [sflag:s1], $0x4000  }
0x25e: {  	s2 =	rddreg [dreg:$0xc]  }
0x25f: {  	s31 =	rddreg [dreg:$0xb];
	s2 =	sadd.s32 $0x1, s2  }
0x260: {  	p0 =	sne.s32 s2, s31  }
.Ltmp5:
0x261: {  	_ = 	snop;
	(pc) =	sbr.rel @p0 .LBB2_1-.Ltmp5, $3  }
0x262: {  	_ =	sdelay $0x1  }
0x263: {  	[sflag:s1] =	ssyncset.done $0x0  }
0x264: {  	[sflag:s1] =	ssyncadd.s32 $0xFFFFC000  }
0x265: {  	_ =	sfence.sel $0x180000  }
0x266: {  	[bflag:$0x0] =	sbarrier.arrive $0xFFFF  }
0x267: {  	_ =	strace $0x90000047  }
0x268: {  	s0 =	stileid.u32;
	[bflag:$0x2] =	sbarrier.arrive $0xFFFF  }
0x269: {  	p0 =	sne.s32 s0, $0x0;
	s0 =	rddreg [dreg:$0x3]  }
0x26a: {  	s0 =	sadd.s32 @!p0 $0x100000, s0  }
0x26b: {  	[sflag:s0] =	ssyncadd.tile.s32 @!p0 $0x1;
	_ =	shalt  }
.Lfunc_end2:
_tile_overlayer_lowered:
.L_overlay_start_2:
0x26c: {  	(tag) =	ssettag $0x2  }
0x26d: {  	s0 =	rddreg [dreg:$0x0];
	s2 =	stileid.u32  }
0x26e: {  	s1 =	rddreg [dreg:$0x1];
	p0 =	sne.s32 s2, $0x0  }
0x26f: {  	s3 =	rddreg [dreg:$0x2];
	[bflag:$0x3] =	sbarrier.arrive $0xFFFF;
	s2 =	simm.s32 @!p0 $0x1C07  }
0x270: {  	[timem:s3], [sflag:s2] =	dma.local @!p0 [hbm:s0], s1  }
0x271: {  	s0 =	simm.s32 @!p0 $0x7  }
0x272: {  	_ =	swait.ge @!p0 [sflag:s0], s1  }
0x273: {  	s1 =	ssub.s32 @!p0 $0x0, s1;
	[sflag:s0] =	ssyncset.done @!p0 $0x0  }
0x274: {  	[sflag:s0] =	ssyncadd.s32 @!p0 s1  }
0x275: {  	[bflag:$0x3] =	sbarrier.arrive $0xFFFF  }
0x276: {  	_ =	shalt  }

</sc_bundles>
